<compile_context>
chip_gen: v7x
topology: tpu7x:2x2x1
jax: 0.10.2.dev20260603
libtpu: 0.0.44.dev20260713+nightly
codegen_flags: <defaults>
</compile_context>

<pallas_src>
import jax
import jax.numpy as jnp
from jax import lax
from jax.experimental import pallas as pl
from jax.experimental.pallas import tpu as pltpu
from jax.experimental.pallas import tpu_sc as plsc

_HID = 2048
_B = 2
_S = 4096
_EPS = 1e-6
_L = 16
_NC = 2
_NS = 16
_NW = _NC * _NS
_N = _B * _S
_RPW = _N // _NW
_CHUNK = 16
_NCHUNK = _RPW // _CHUNK
_SLICES = _HID // _L


def _body(ids_hbm, w_hbm, table_hbm, out_hbm, idx_v, w_v, buf_v,
          gsem0, gsem1, gsem2, osem0, osem1, osem2):
    wid = lax.axis_index("s") * _NC + lax.axis_index("c")
    base = wid * _RPW
    pltpu.sync_copy(ids_hbm.at[pl.ds(base, _RPW)], idx_v)
    pltpu.sync_copy(w_hbm, w_v)
    gsems = (gsem0, gsem1, gsem2)
    osems = (osem0, osem1, osem2)
    iota = lax.iota(jnp.int32, _L)

    def gather_desc(c, slot):
        return pltpu.make_async_copy(
            table_hbm.at[idx_v.at[pl.ds(c * _CHUNK, _CHUNK)]],
            buf_v.at[slot],
            gsems[slot],
        )

    def store_desc(c, slot):
        return pltpu.make_async_copy(
            buf_v.at[slot],
            out_hbm.at[pl.ds(base + c * _CHUNK, _CHUNK)],
            osems[slot],
        )

    def process(slot):
        zeros = tuple(jnp.zeros((_L,), jnp.float32) for _ in range(_CHUNK))

        @plsc.parallel_loop(0, _HID, step=_L, unroll=2, carry=zeros)
        def accs(o, acc_in):
            new = []
            for r in range(_CHUNK):
                x = buf_v[slot, r, pl.ds(o, _L)]
                new.append(acc_in[r] + x * x)
            return tuple(new)

        vecs = list(accs)
        stage = 0
        while len(vecs) > 1:
            g = 1 << stage
            sel = ((iota >> stage) & 1) == 0
            perm = jnp.bitwise_xor(iota, g)
            nxt = []
            for k in range(len(vecs) // 2):
                a, b = vecs[2 * k], vecs[2 * k + 1]
                ap = a.at[perm].get(mode="promise_in_bounds")
                bp = b.at[perm].get(mode="promise_in_bounds")
                nxt.append(jnp.where(sel, a, b) + jnp.where(sel, ap, bp))
            vecs = nxt
            stage += 1
        s = vecs[0]
        while (1 << stage) < _L:
            perm = jnp.bitwise_xor(iota, 1 << stage)
            s = s + s.at[perm].get(mode="promise_in_bounds")
            stage += 1
        vv = s * (1.0 / _HID) + _EPS
        bits = lax.bitcast_convert_type(vv, jnp.int32)
        bits = jnp.full((_L,), 0x5F3759DF, jnp.int32) - \
            lax.shift_right_logical(bits, 1)
        y = lax.bitcast_convert_type(bits, jnp.float32)
        for _ in range(4):
            y = y * (1.5 - (0.5 * vv) * (y * y))
        ysplat = [
            y.at[jnp.full((_L,), r, jnp.int32)].get(mode="promise_in_bounds")
            for r in range(_CHUNK)
        ]

        @plsc.parallel_loop(0, _HID, step=_L, unroll=2)
        def _(o):
            sl = pl.ds(o, _L)
            w = w_v[sl]
            for r in range(_CHUNK):
                buf_v[slot, r, sl] = buf_v[slot, r, sl] * ysplat[r] * w

    gather_desc(0, 0).start()

    def dma_pre(c, slot):
        nslot = (slot + 1) % 3

        @pl.when(c >= 2)
        def _():
            store_desc(c - 2, nslot).wait()

        @pl.when(c + 1 < _NCHUNK)
        def _():
            gather_desc(c + 1, nslot).start()

        gather_desc(c, slot).wait()

    def body(c, carry):
        slot = lax.rem(c, 3)
        for k in range(3):
            @pl.when(slot == k)
            def _(k=k):
                dma_pre(c, k)
        process(slot)
        for k in range(3):
            @pl.when(slot == k)
            def _(k=k):
                store_desc(c, k).start()
        return carry

    lax.fori_loop(0, _NCHUNK, body, 0)
    store_desc(_NCHUNK - 2, (_NCHUNK - 2) % 3).wait()
    store_desc(_NCHUNK - 1, (_NCHUNK - 1) % 3).wait()


def kernel(input_ids, embed_table, norm_weight):
    ids = input_ids.reshape(-1).astype(jnp.int32)
    mesh = plsc.VectorSubcoreMesh(core_axis_name="c", subcore_axis_name="s")
    f = pl.kernel(
        _body,
        mesh=mesh,
        out_type=jax.ShapeDtypeStruct((_N, _HID), jnp.float32),
        scratch_types=[
            pltpu.VMEM((_RPW,), jnp.int32),
            pltpu.VMEM((_HID,), jnp.float32),
            pltpu.VMEM((3, _CHUNK, _HID), jnp.float32),
            pltpu.SemaphoreType.DMA,
            pltpu.SemaphoreType.DMA,
            pltpu.SemaphoreType.DMA,
            pltpu.SemaphoreType.DMA,
            pltpu.SemaphoreType.DMA,
            pltpu.SemaphoreType.DMA,
        ],
    )
    out = f(ids, norm_weight.astype(jnp.float32), embed_table)
    return out.reshape(_B, _S, _HID)

# --- scband reference (transcript-rebuilt; emitter-appended) ---
"""Pipeline reference for scband-deepseek-omodel-62620623176272 (READ-ONLY COPY).

The authoritative reference and input builder live on the scoring server;
editing this copy changes nothing except your own understanding.
"""

import jax, jax.numpy as jnp
import numpy as np

VOCAB = 100000
HID = 2048
B = 2
S = 4096
EPS = 1e-6


def setup_inputs(seed: int = 0) -> dict:
    key = jax.random.key(seed)
    k1, k2 = jax.random.split(key, 2)
    input_ids = jax.random.randint(k1, (B, S), 0, VOCAB)
    embed_table = jax.random.normal(k2, (VOCAB, HID), dtype=jnp.float32) * 0.02
    norm_weight = jnp.ones((HID,), dtype=jnp.float32)
    return {"input_ids": input_ids, "embed_table": embed_table, "norm_weight": norm_weight}


def _rmsnorm(x, weight, eps=EPS):
    # DeepseekRMSNorm: compute in float32, scale by rsqrt(mean(x^2)+eps), multiply by weight
    dtype = x.dtype
    xf = x.astype(jnp.float32)
    variance = jnp.mean(xf * xf, axis=-1, keepdims=True)
    xf = xf * jax.lax.rsqrt(variance + eps)
    return (weight * xf).astype(dtype)


def reference(input_ids, embed_table, norm_weight):
    # embed_tokens: gather rows from the embedding table (SparseCore-friendly gather)
    hidden_states = jnp.take(embed_table, input_ids, axis=0)
    # decoder layers are _PlaceholderLayer (no-op container slots, num_hidden_layers=0)
    # final norm
    out = _rmsnorm(hidden_states, norm_weight)
    return out

if __name__ == "__main__":
    import jax
    _d = setup_inputs()
    print(jax.jit(kernel)(*tuple(_d.values())))

</pallas_src>

<mosaic_0001>
#map = affine_map<(d0, d1) -> (0)>
#map1 = affine_map<(d0, d1) -> (0, 0)>
module attributes {stable_mosaic.version = 14 : i64} {
  func.func @_body(%arg0: i32, %arg1: i32, %arg2: memref<8192xi32, #tpu.memory_space<hbm>>, %arg3: memref<2048xf32, #tpu.memory_space<hbm>>, %arg4: memref<100000x2048xf32, #tpu.memory_space<hbm>>, %arg5: memref<8192x2048xf32, #tpu.memory_space<hbm>>, %arg6: memref<256xi32, #tpu.memory_space<vmem>>, %arg7: memref<2048xf32, #tpu.memory_space<vmem>>, %arg8: memref<3x16x2048xf32, #tpu.memory_space<vmem>>, %arg9: memref<!tpu.dma_semaphore, #tpu.memory_space<semaphore_mem>>, %arg10: memref<!tpu.dma_semaphore, #tpu.memory_space<semaphore_mem>>, %arg11: memref<!tpu.dma_semaphore, #tpu.memory_space<semaphore_mem>>, %arg12: memref<!tpu.dma_semaphore, #tpu.memory_space<semaphore_mem>>, %arg13: memref<!tpu.dma_semaphore, #tpu.memory_space<semaphore_mem>>, %arg14: memref<!tpu.dma_semaphore, #tpu.memory_space<semaphore_mem>>) attributes {dimension_semantics = [#tpu.dimension_semantics<core_parallel>, #tpu.dimension_semantics<subcore_parallel>], iteration_bounds = array<i64: 2, 16>, scalar_prefetch = 0 : i64, scratch_operands = 9 : i64, tpu.core_type = #tpu.core_type<sc_vector_subcore>, window_params = [{transform_indices = #map}, {transform_indices = #map}, {transform_indices = #map1}, {transform_indices = #map1}]} {
    %mul3A = arith.constant 2 : i32
    %mul3A_0 = arith.muli %arg1, %mul3A : i32
    %add3A = arith.addi %mul3A_0, %arg0 : i32
    %mul3A_1 = arith.constant 256 : i32
    %mul3A_2 = arith.muli %add3A, %mul3A_1 : i32
    "tpu.region"() ({
      %run_scoped3A = tpu.sem_alloc : memref<!tpu.dma_semaphore, #tpu.memory_space<semaphore_mem>>
      %dma_start3A_46 = tpu.memref_slice %arg2[%mul3A_2] : memref<8192xi32, #tpu.memory_space<hbm>> -> memref<256xi32, #tpu.memory_space<hbm>>
      %dma_start3A_47 = tpu.memref_slice %arg2[%mul3A_2] : memref<8192xi32, #tpu.memory_space<hbm>> -> memref<256xi32, #tpu.memory_space<hbm>>
      tpu.enqueue_dma source(%dma_start3A_47 : memref<256xi32, #tpu.memory_space<hbm>>) target(%arg6 : memref<256xi32, #tpu.memory_space<vmem>>) target_semaphore(%run_scoped3A : memref<!tpu.dma_semaphore, #tpu.memory_space<semaphore_mem>>)
      %dma_wait3A_48 = tpu.memref_slice %arg2[%mul3A_2] : memref<8192xi32, #tpu.memory_space<hbm>> -> memref<256xi32, #tpu.memory_space<hbm>>
      %dma_wait3A_49 = tpu.memref_slice %arg2[%mul3A_2] : memref<8192xi32, #tpu.memory_space<hbm>> -> memref<256xi32, #tpu.memory_space<hbm>>
      tpu.wait_dma2 semaphore(%run_scoped3A : memref<!tpu.dma_semaphore, #tpu.memory_space<semaphore_mem>>) src(%dma_wait3A_49 : memref<256xi32, #tpu.memory_space<hbm>>) dst(%arg6 : memref<256xi32, #tpu.memory_space<vmem>>)
      tpu.yield
    }) : () -> ()
    "tpu.region"() ({
      %run_scoped3A = tpu.sem_alloc : memref<!tpu.dma_semaphore, #tpu.memory_space<semaphore_mem>>
      tpu.enqueue_dma source(%arg3 : memref<2048xf32, #tpu.memory_space<hbm>>) target(%arg7 : memref<2048xf32, #tpu.memory_space<vmem>>) target_semaphore(%run_scoped3A : memref<!tpu.dma_semaphore, #tpu.memory_space<semaphore_mem>>)
      tpu.wait_dma2 semaphore(%run_scoped3A : memref<!tpu.dma_semaphore, #tpu.memory_space<semaphore_mem>>) src(%arg3 : memref<2048xf32, #tpu.memory_space<hbm>>) dst(%arg7 : memref<2048xf32, #tpu.memory_space<vmem>>)
      tpu.yield
    }) : () -> ()
    %iota3A = tpu.iota {dimensions = array<i32: 0>} : vector<16xi32>
    %dma_start3A = arith.constant 0 : i32
    %dma_start3A_3 = arith.constant 0 : i32
    %dma_start3A_4 = arith.constant 0 : i32
    %dma_start3A_5 = tpu.memref_slice %arg8[%dma_start3A, %dma_start3A_3, %dma_start3A_4] : memref<3x16x2048xf32, #tpu.memory_space<vmem>> -> memref<1x16x2048xf32, #tpu.memory_space<vmem>>
    %dma_start3A_6 = tpu.memref_squeeze %dma_start3A_5 : memref<1x16x2048xf32, #tpu.memory_space<vmem>> -> memref<16x2048xf32, #tpu.memory_space<vmem>>
    %dma_start3A_7 = arith.constant 0 : i32
    %dma_start3A_8 = tpu.memref_slice %arg6[%dma_start3A_7] : memref<256xi32, #tpu.memory_space<vmem>> -> memref<16xi32, #tpu.memory_space<vmem>>
    %dma_start3A_9 = arith.constant 0 : i32
    %dma_start3A_10 = arith.constant 0 : i32
    %dma_start3A_11 = tpu.memref_slice %arg4[%dma_start3A_9, %dma_start3A_10] : memref<100000x2048xf32, #tpu.memory_space<hbm>> -> memref<100000x2048xf32, #tpu.memory_space<hbm>>
    tpu.enqueue_indirect_dma source(%dma_start3A_11 : memref<100000x2048xf32, #tpu.memory_space<hbm>>) target(%dma_start3A_6 : memref<16x2048xf32, #tpu.memory_space<vmem>>) offsets(%dma_start3A_8 : memref<16xi32, #tpu.memory_space<vmem>>) semaphore(%arg9 : memref<!tpu.dma_semaphore, #tpu.memory_space<semaphore_mem>>)
    %scan3A = arith.constant 0 : i32
    %scan3A_12 = arith.constant 0 : i32
    %scan3A_13 = arith.constant 16 : i32
    %scan3A_14 = arith.addi %scan3A_12, %scan3A_13 : i32
    %scan3A_15 = arith.constant 1 : i32
    scf.for %scan3A_46 = %scan3A_12 to %scan3A_14 step %scan3A_15  : i32 {
      %rem3A = arith.constant 3 : i32
      %rem3A_47 = arith.remsi %scan3A_46, %rem3A : i32
      %eq3A = arith.constant 0 : i32
      %eq3A_48 = arith.cmpi eq, %rem3A_47, %eq3A : i32
      %convert_element_type3A = arith.extui %eq3A_48 : i1 to i32
      %cond3A = arith.constant 0 : i32
      %cond3A_49 = arith.cmpi ne, %convert_element_type3A, %cond3A : i32
      scf.if %cond3A_49 {
        %ge3A = arith.constant 2 : i32
        %ge3A_738 = arith.cmpi sge, %scan3A_46, %ge3A : i32
        %convert_element_type3A_739 = arith.extui %ge3A_738 : i1 to i32
        %cond3A_740 = arith.constant 0 : i32
        %cond3A_741 = arith.cmpi ne, %convert_element_type3A_739, %cond3A_740 : i32
        scf.if %cond3A_741 {
          %sub3A_760 = arith.constant 2 : i32
          %sub3A_761 = arith.subi %scan3A_46, %sub3A_760 : i32
          %mul3A_762 = arith.constant 16 : i32
          %mul3A_763 = arith.muli %sub3A_761, %mul3A_762 : i32
          %add3A_764 = arith.addi %mul3A_2, %mul3A_763 : i32
          %dma_wait3A_765 = arith.constant 1 : i32
          %dma_wait3A_766 = arith.constant 0 : i32
          %dma_wait3A_767 = arith.constant 0 : i32
          %dma_wait3A_768 = tpu.memref_slice %arg8[%dma_wait3A_765, %dma_wait3A_766, %dma_wait3A_767] : memref<3x16x2048xf32, #tpu.memory_space<vmem>> -> memref<1x16x2048xf32, #tpu.memory_space<vmem>>
          %dma_wait3A_769 = tpu.memref_squeeze %dma_wait3A_768 : memref<1x16x2048xf32, #tpu.memory_space<vmem>> -> memref<16x2048xf32, #tpu.memory_space<vmem>>
          %dma_wait3A_770 = arith.constant 0 : i32
          %dma_wait3A_771 = tpu.memref_slice %arg5[%add3A_764, %dma_wait3A_770] : memref<8192x2048xf32, #tpu.memory_space<hbm>> -> memref<16x2048xf32, #tpu.memory_space<hbm>>
          %dma_wait3A_772 = arith.constant 0 : i32
          %dma_wait3A_773 = tpu.memref_slice %arg5[%add3A_764, %dma_wait3A_772] : memref<8192x2048xf32, #tpu.memory_space<hbm>> -> memref<16x2048xf32, #tpu.memory_space<hbm>>
          %dma_wait3A_774 = arith.constant 0 : i32
          %dma_wait3A_775 = arith.constant 0 : i32
          %dma_wait3A_776 = tpu.memref_slice %arg8[%dma_wait3A_765, %dma_wait3A_774, %dma_wait3A_775] : memref<3x16x2048xf32, #tpu.memory_space<vmem>> -> memref<1x16x2048xf32, #tpu.memory_space<vmem>>
          %dma_wait3A_777 = tpu.memref_squeeze %dma_wait3A_776 : memref<1x16x2048xf32, #tpu.memory_space<vmem>> -> memref<16x2048xf32, #tpu.memory_space<vmem>>
          tpu.wait_dma2 semaphore(%arg13 : memref<!tpu.dma_semaphore, #tpu.memory_space<semaphore_mem>>) src(%dma_wait3A_777 : memref<16x2048xf32, #tpu.memory_space<vmem>>) dst(%dma_wait3A_773 : memref<16x2048xf32, #tpu.memory_space<hbm>>)
        } else {
        }
        %add3A_742 = arith.constant 1 : i32
        %add3A_743 = arith.addi %scan3A_46, %add3A_742 : i32
        %lt3A_744 = arith.constant 16 : i32
        %lt3A_745 = arith.cmpi slt, %add3A_743, %lt3A_744 : i32
        %convert_element_type3A_746 = arith.extui %lt3A_745 : i1 to i32
        %cond3A_747 = arith.constant 0 : i32
        %cond3A_748 = arith.cmpi ne, %convert_element_type3A_746, %cond3A_747 : i32
        scf.if %cond3A_748 {
          %add3A_760 = arith.constant 1 : i32
          %add3A_761 = arith.addi %scan3A_46, %add3A_760 : i32
          %mul3A_762 = arith.constant 16 : i32
          %mul3A_763 = arith.muli %add3A_761, %mul3A_762 : i32
          %dma_start3A_764 = arith.constant 1 : i32
          %dma_start3A_765 = arith.constant 0 : i32
          %dma_start3A_766 = arith.constant 0 : i32
          %dma_start3A_767 = tpu.memref_slice %arg8[%dma_start3A_764, %dma_start3A_765, %dma_start3A_766] : memref<3x16x2048xf32, #tpu.memory_space<vmem>> -> memref<1x16x2048xf32, #tpu.memory_space<vmem>>
          %dma_start3A_768 = tpu.memref_squeeze %dma_start3A_767 : memref<1x16x2048xf32, #tpu.memory_space<vmem>> -> memref<16x2048xf32, #tpu.memory_space<vmem>>
          %dma_start3A_769 = tpu.memref_slice %arg6[%mul3A_763] : memref<256xi32, #tpu.memory_space<vmem>> -> memref<16xi32, #tpu.memory_space<vmem>>
          %dma_start3A_770 = arith.constant 0 : i32
          %dma_start3A_771 = arith.constant 0 : i32
          %dma_start3A_772 = tpu.memref_slice %arg4[%dma_start3A_770, %dma_start3A_771] : memref<100000x2048xf32, #tpu.memory_space<hbm>> -> memref<100000x2048xf32, #tpu.memory_space<hbm>>
          tpu.enqueue_indirect_dma source(%dma_start3A_772 : memref<100000x2048xf32, #tpu.memory_space<hbm>>) target(%dma_start3A_768 : memref<16x2048xf32, #tpu.memory_space<vmem>>) offsets(%dma_start3A_769 : memref<16xi32, #tpu.memory_space<vmem>>) semaphore(%arg10 : memref<!tpu.dma_semaphore, #tpu.memory_space<semaphore_mem>>)
        } else {
        }
        %mul3A_749 = arith.constant 16 : i32
        %mul3A_750 = arith.muli %scan3A_46, %mul3A_749 : i32
        %dma_wait3A_751 = arith.constant 0 : i32
        %dma_wait3A_752 = arith.constant 0 : i32
        %dma_wait3A_753 = arith.constant 0 : i32
        %dma_wait3A_754 = tpu.memref_slice %arg8[%dma_wait3A_751, %dma_wait3A_752, %dma_wait3A_753] : memref<3x16x2048xf32, #tpu.memory_space<vmem>> -> memref<1x16x2048xf32, #tpu.memory_space<vmem>>
        %dma_wait3A_755 = tpu.memref_squeeze %dma_wait3A_754 : memref<1x16x2048xf32, #tpu.memory_space<vmem>> -> memref<16x2048xf32, #tpu.memory_space<vmem>>
        %dma_wait3A_756 = tpu.memref_slice %arg6[%mul3A_750] : memref<256xi32, #tpu.memory_space<vmem>> -> memref<16xi32, #tpu.memory_space<vmem>>
        %dma_wait3A_757 = arith.constant 0 : i32
        %dma_wait3A_758 = arith.constant 0 : i32
        %dma_wait3A_759 = tpu.memref_slice %arg4[%dma_wait3A_757, %dma_wait3A_758] : memref<100000x2048xf32, #tpu.memory_space<hbm>> -> memref<100000x2048xf32, #tpu.memory_space<hbm>>
        tpu.wait_indirect_dma semaphore(%arg9 : memref<!tpu.dma_semaphore, #tpu.memory_space<semaphore_mem>>) src(%dma_wait3A_759 : memref<100000x2048xf32, #tpu.memory_space<hbm>>) dst(%dma_wait3A_755 : memref<16x2048xf32, #tpu.memory_space<vmem>>)
      } else {
      }
      %eq3A_50 = arith.constant 1 : i32
      %eq3A_51 = arith.cmpi eq, %rem3A_47, %eq3A_50 : i32
      %convert_element_type3A_52 = arith.extui %eq3A_51 : i1 to i32
      %cond3A_53 = arith.constant 0 : i32
      %cond3A_54 = arith.cmpi ne, %convert_element_type3A_52, %cond3A_53 : i32
      scf.if %cond3A_54 {
        %ge3A = arith.constant 2 : i32
        %ge3A_738 = arith.cmpi sge, %scan3A_46, %ge3A : i32
        %convert_element_type3A_739 = arith.extui %ge3A_738 : i1 to i32
        %cond3A_740 = arith.constant 0 : i32
        %cond3A_741 = arith.cmpi ne, %convert_element_type3A_739, %cond3A_740 : i32
        scf.if %cond3A_741 {
          %sub3A_760 = arith.constant 2 : i32
          %sub3A_761 = arith.subi %scan3A_46, %sub3A_760 : i32
          %mul3A_762 = arith.constant 16 : i32
          %mul3A_763 = arith.muli %sub3A_761, %mul3A_762 : i32
          %add3A_764 = arith.addi %mul3A_2, %mul3A_763 : i32
          %dma_wait3A_765 = arith.constant 2 : i32
          %dma_wait3A_766 = arith.constant 0 : i32
          %dma_wait3A_767 = arith.constant 0 : i32
          %dma_wait3A_768 = tpu.memref_slice %arg8[%dma_wait3A_765, %dma_wait3A_766, %dma_wait3A_767] : memref<3x16x2048xf32, #tpu.memory_space<vmem>> -> memref<1x16x2048xf32, #tpu.memory_space<vmem>>
          %dma_wait3A_769 = tpu.memref_squeeze %dma_wait3A_768 : memref<1x16x2048xf32, #tpu.memory_space<vmem>> -> memref<16x2048xf32, #tpu.memory_space<vmem>>
          %dma_wait3A_770 = arith.constant 0 : i32
          %dma_wait3A_771 = tpu.memref_slice %arg5[%add3A_764, %dma_wait3A_770] : memref<8192x2048xf32, #tpu.memory_space<hbm>> -> memref<16x2048xf32, #tpu.memory_space<hbm>>
          %dma_wait3A_772 = arith.constant 0 : i32
          %dma_wait3A_773 = tpu.memref_slice %arg5[%add3A_764, %dma_wait3A_772] : memref<8192x2048xf32, #tpu.memory_space<hbm>> -> memref<16x2048xf32, #tpu.memory_space<hbm>>
          %dma_wait3A_774 = arith.constant 0 : i32
          %dma_wait3A_775 = arith.constant 0 : i32
          %dma_wait3A_776 = tpu.memref_slice %arg8[%dma_wait3A_765, %dma_wait3A_774, %dma_wait3A_775] : memref<3x16x2048xf32, #tpu.memory_space<vmem>> -> memref<1x16x2048xf32, #tpu.memory_space<vmem>>
          %dma_wait3A_777 = tpu.memref_squeeze %dma_wait3A_776 : memref<1x16x2048xf32, #tpu.memory_space<vmem>> -> memref<16x2048xf32, #tpu.memory_space<vmem>>
          tpu.wait_dma2 semaphore(%arg14 : memref<!tpu.dma_semaphore, #tpu.memory_space<semaphore_mem>>) src(%dma_wait3A_777 : memref<16x2048xf32, #tpu.memory_space<vmem>>) dst(%dma_wait3A_773 : memref<16x2048xf32, #tpu.memory_space<hbm>>)
        } else {
        }
        %add3A_742 = arith.constant 1 : i32
        %add3A_743 = arith.addi %scan3A_46, %add3A_742 : i32
        %lt3A_744 = arith.constant 16 : i32
        %lt3A_745 = arith.cmpi slt, %add3A_743, %lt3A_744 : i32
        %convert_element_type3A_746 = arith.extui %lt3A_745 : i1 to i32
        %cond3A_747 = arith.constant 0 : i32
        %cond3A_748 = arith.cmpi ne, %convert_element_type3A_746, %cond3A_747 : i32
        scf.if %cond3A_748 {
          %add3A_760 = arith.constant 1 : i32
          %add3A_761 = arith.addi %scan3A_46, %add3A_760 : i32
          %mul3A_762 = arith.constant 16 : i32
          %mul3A_763 = arith.muli %add3A_761, %mul3A_762 : i32
          %dma_start3A_764 = arith.constant 2 : i32
          %dma_start3A_765 = arith.constant 0 : i32
          %dma_start3A_766 = arith.constant 0 : i32
          %dma_start3A_767 = tpu.memref_slice %arg8[%dma_start3A_764, %dma_start3A_765, %dma_start3A_766] : memref<3x16x2048xf32, #tpu.memory_space<vmem>> -> memref<1x16x2048xf32, #tpu.memory_space<vmem>>
          %dma_start3A_768 = tpu.memref_squeeze %dma_start3A_767 : memref<1x16x2048xf32, #tpu.memory_space<vmem>> -> memref<16x2048xf32, #tpu.memory_space<vmem>>
          %dma_start3A_769 = tpu.memref_slice %arg6[%mul3A_763] : memref<256xi32, #tpu.memory_space<vmem>> -> memref<16xi32, #tpu.memory_space<vmem>>
          %dma_start3A_770 = arith.constant 0 : i32
          %dma_start3A_771 = arith.constant 0 : i32
          %dma_start3A_772 = tpu.memref_slice %arg4[%dma_start3A_770, %dma_start3A_771] : memref<100000x2048xf32, #tpu.memory_space<hbm>> -> memref<100000x2048xf32, #tpu.memory_space<hbm>>
          tpu.enqueue_indirect_dma source(%dma_start3A_772 : memref<100000x2048xf32, #tpu.memory_space<hbm>>) target(%dma_start3A_768 : memref<16x2048xf32, #tpu.memory_space<vmem>>) offsets(%dma_start3A_769 : memref<16xi32, #tpu.memory_space<vmem>>) semaphore(%arg11 : memref<!tpu.dma_semaphore, #tpu.memory_space<semaphore_mem>>)
        } else {
        }
        %mul3A_749 = arith.constant 16 : i32
        %mul3A_750 = arith.muli %scan3A_46, %mul3A_749 : i32
        %dma_wait3A_751 = arith.constant 1 : i32
        %dma_wait3A_752 = arith.constant 0 : i32
        %dma_wait3A_753 = arith.constant 0 : i32
        %dma_wait3A_754 = tpu.memref_slice %arg8[%dma_wait3A_751, %dma_wait3A_752, %dma_wait3A_753] : memref<3x16x2048xf32, #tpu.memory_space<vmem>> -> memref<1x16x2048xf32, #tpu.memory_space<vmem>>
        %dma_wait3A_755 = tpu.memref_squeeze %dma_wait3A_754 : memref<1x16x2048xf32, #tpu.memory_space<vmem>> -> memref<16x2048xf32, #tpu.memory_space<vmem>>
        %dma_wait3A_756 = tpu.memref_slice %arg6[%mul3A_750] : memref<256xi32, #tpu.memory_space<vmem>> -> memref<16xi32, #tpu.memory_space<vmem>>
        %dma_wait3A_757 = arith.constant 0 : i32
        %dma_wait3A_758 = arith.constant 0 : i32
        %dma_wait3A_759 = tpu.memref_slice %arg4[%dma_wait3A_757, %dma_wait3A_758] : memref<100000x2048xf32, #tpu.memory_space<hbm>> -> memref<100000x2048xf32, #tpu.memory_space<hbm>>
        tpu.wait_indirect_dma semaphore(%arg10 : memref<!tpu.dma_semaphore, #tpu.memory_space<semaphore_mem>>) src(%dma_wait3A_759 : memref<100000x2048xf32, #tpu.memory_space<hbm>>) dst(%dma_wait3A_755 : memref<16x2048xf32, #tpu.memory_space<vmem>>)
      } else {
      }
      %eq3A_55 = arith.constant 2 : i32
      %eq3A_56 = arith.cmpi eq, %rem3A_47, %eq3A_55 : i32
      %convert_element_type3A_57 = arith.extui %eq3A_56 : i1 to i32
      %cond3A_58 = arith.constant 0 : i32
      %cond3A_59 = arith.cmpi ne, %convert_element_type3A_57, %cond3A_58 : i32
      scf.if %cond3A_59 {
        %ge3A = arith.constant 2 : i32
        %ge3A_738 = arith.cmpi sge, %scan3A_46, %ge3A : i32
        %convert_element_type3A_739 = arith.extui %ge3A_738 : i1 to i32
        %cond3A_740 = arith.constant 0 : i32
        %cond3A_741 = arith.cmpi ne, %convert_element_type3A_739, %cond3A_740 : i32
        scf.if %cond3A_741 {
          %sub3A_760 = arith.constant 2 : i32
          %sub3A_761 = arith.subi %scan3A_46, %sub3A_760 : i32
          %mul3A_762 = arith.constant 16 : i32
          %mul3A_763 = arith.muli %sub3A_761, %mul3A_762 : i32
          %add3A_764 = arith.addi %mul3A_2, %mul3A_763 : i32
          %dma_wait3A_765 = arith.constant 0 : i32
          %dma_wait3A_766 = arith.constant 0 : i32
          %dma_wait3A_767 = arith.constant 0 : i32
          %dma_wait3A_768 = tpu.memref_slice %arg8[%dma_wait3A_765, %dma_wait3A_766, %dma_wait3A_767] : memref<3x16x2048xf32, #tpu.memory_space<vmem>> -> memref<1x16x2048xf32, #tpu.memory_space<vmem>>
          %dma_wait3A_769 = tpu.memref_squeeze %dma_wait3A_768 : memref<1x16x2048xf32, #tpu.memory_space<vmem>> -> memref<16x2048xf32, #tpu.memory_space<vmem>>
          %dma_wait3A_770 = arith.constant 0 : i32
          %dma_wait3A_771 = tpu.memref_slice %arg5[%add3A_764, %dma_wait3A_770] : memref<8192x2048xf32, #tpu.memory_space<hbm>> -> memref<16x2048xf32, #tpu.memory_space<hbm>>
          %dma_wait3A_772 = arith.constant 0 : i32
          %dma_wait3A_773 = tpu.memref_slice %arg5[%add3A_764, %dma_wait3A_772] : memref<8192x2048xf32, #tpu.memory_space<hbm>> -> memref<16x2048xf32, #tpu.memory_space<hbm>>
          %dma_wait3A_774 = arith.constant 0 : i32
          %dma_wait3A_775 = arith.constant 0 : i32
          %dma_wait3A_776 = tpu.memref_slice %arg8[%dma_wait3A_765, %dma_wait3A_774, %dma_wait3A_775] : memref<3x16x2048xf32, #tpu.memory_space<vmem>> -> memref<1x16x2048xf32, #tpu.memory_space<vmem>>
          %dma_wait3A_777 = tpu.memref_squeeze %dma_wait3A_776 : memref<1x16x2048xf32, #tpu.memory_space<vmem>> -> memref<16x2048xf32, #tpu.memory_space<vmem>>
          tpu.wait_dma2 semaphore(%arg12 : memref<!tpu.dma_semaphore, #tpu.memory_space<semaphore_mem>>) src(%dma_wait3A_777 : memref<16x2048xf32, #tpu.memory_space<vmem>>) dst(%dma_wait3A_773 : memref<16x2048xf32, #tpu.memory_space<hbm>>)
        } else {
        }
        %add3A_742 = arith.constant 1 : i32
        %add3A_743 = arith.addi %scan3A_46, %add3A_742 : i32
        %lt3A_744 = arith.constant 16 : i32
        %lt3A_745 = arith.cmpi slt, %add3A_743, %lt3A_744 : i32
        %convert_element_type3A_746 = arith.extui %lt3A_745 : i1 to i32
        %cond3A_747 = arith.constant 0 : i32
        %cond3A_748 = arith.cmpi ne, %convert_element_type3A_746, %cond3A_747 : i32
        scf.if %cond3A_748 {
          %add3A_760 = arith.constant 1 : i32
          %add3A_761 = arith.addi %scan3A_46, %add3A_760 : i32
          %mul3A_762 = arith.constant 16 : i32
          %mul3A_763 = arith.muli %add3A_761, %mul3A_762 : i32
          %dma_start3A_764 = arith.constant 0 : i32
          %dma_start3A_765 = arith.constant 0 : i32
          %dma_start3A_766 = arith.constant 0 : i32
          %dma_start3A_767 = tpu.memref_slice %arg8[%dma_start3A_764, %dma_start3A_765, %dma_start3A_766] : memref<3x16x2048xf32, #tpu.memory_space<vmem>> -> memref<1x16x2048xf32, #tpu.memory_space<vmem>>
          %dma_start3A_768 = tpu.memref_squeeze %dma_start3A_767 : memref<1x16x2048xf32, #tpu.memory_space<vmem>> -> memref<16x2048xf32, #tpu.memory_space<vmem>>
          %dma_start3A_769 = tpu.memref_slice %arg6[%mul3A_763] : memref<256xi32, #tpu.memory_space<vmem>> -> memref<16xi32, #tpu.memory_space<vmem>>
          %dma_start3A_770 = arith.constant 0 : i32
          %dma_start3A_771 = arith.constant 0 : i32
          %dma_start3A_772 = tpu.memref_slice %arg4[%dma_start3A_770, %dma_start3A_771] : memref<100000x2048xf32, #tpu.memory_space<hbm>> -> memref<100000x2048xf32, #tpu.memory_space<hbm>>
          tpu.enqueue_indirect_dma source(%dma_start3A_772 : memref<100000x2048xf32, #tpu.memory_space<hbm>>) target(%dma_start3A_768 : memref<16x2048xf32, #tpu.memory_space<vmem>>) offsets(%dma_start3A_769 : memref<16xi32, #tpu.memory_space<vmem>>) semaphore(%arg9 : memref<!tpu.dma_semaphore, #tpu.memory_space<semaphore_mem>>)
        } else {
        }
        %mul3A_749 = arith.constant 16 : i32
        %mul3A_750 = arith.muli %scan3A_46, %mul3A_749 : i32
        %dma_wait3A_751 = arith.constant 2 : i32
        %dma_wait3A_752 = arith.constant 0 : i32
        %dma_wait3A_753 = arith.constant 0 : i32
        %dma_wait3A_754 = tpu.memref_slice %arg8[%dma_wait3A_751, %dma_wait3A_752, %dma_wait3A_753] : memref<3x16x2048xf32, #tpu.memory_space<vmem>> -> memref<1x16x2048xf32, #tpu.memory_space<vmem>>
        %dma_wait3A_755 = tpu.memref_squeeze %dma_wait3A_754 : memref<1x16x2048xf32, #tpu.memory_space<vmem>> -> memref<16x2048xf32, #tpu.memory_space<vmem>>
        %dma_wait3A_756 = tpu.memref_slice %arg6[%mul3A_750] : memref<256xi32, #tpu.memory_space<vmem>> -> memref<16xi32, #tpu.memory_space<vmem>>
        %dma_wait3A_757 = arith.constant 0 : i32
        %dma_wait3A_758 = arith.constant 0 : i32
        %dma_wait3A_759 = tpu.memref_slice %arg4[%dma_wait3A_757, %dma_wait3A_758] : memref<100000x2048xf32, #tpu.memory_space<hbm>> -> memref<100000x2048xf32, #tpu.memory_space<hbm>>
        tpu.wait_indirect_dma semaphore(%arg11 : memref<!tpu.dma_semaphore, #tpu.memory_space<semaphore_mem>>) src(%dma_wait3A_759 : memref<100000x2048xf32, #tpu.memory_space<hbm>>) dst(%dma_wait3A_755 : memref<16x2048xf32, #tpu.memory_space<vmem>>)
      } else {
      }
      %broadcast_in_dim3A = arith.constant 0.000000e+00 : f32
      %broadcast_in_dim3A_60 = vector.broadcast %broadcast_in_dim3A : f32 to vector<16xf32>
      %broadcast_in_dim3A_61 = arith.constant 0.000000e+00 : f32
      %broadcast_in_dim3A_62 = vector.broadcast %broadcast_in_dim3A_61 : f32 to vector<16xf32>
      %broadcast_in_dim3A_63 = arith.constant 0.000000e+00 : f32
      %broadcast_in_dim3A_64 = vector.broadcast %broadcast_in_dim3A_63 : f32 to vector<16xf32>
      %broadcast_in_dim3A_65 = arith.constant 0.000000e+00 : f32
      %broadcast_in_dim3A_66 = vector.broadcast %broadcast_in_dim3A_65 : f32 to vector<16xf32>
      %broadcast_in_dim3A_67 = arith.constant 0.000000e+00 : f32
      %broadcast_in_dim3A_68 = vector.broadcast %broadcast_in_dim3A_67 : f32 to vector<16xf32>
      %broadcast_in_dim3A_69 = arith.constant 0.000000e+00 : f32
      %broadcast_in_dim3A_70 = vector.broadcast %broadcast_in_dim3A_69 : f32 to vector<16xf32>
      %broadcast_in_dim3A_71 = arith.constant 0.000000e+00 : f32
      %broadcast_in_dim3A_72 = vector.broadcast %broadcast_in_dim3A_71 : f32 to vector<16xf32>
      %broadcast_in_dim3A_73 = arith.constant 0.000000e+00 : f32
      %broadcast_in_dim3A_74 = vector.broadcast %broadcast_in_dim3A_73 : f32 to vector<16xf32>
      %broadcast_in_dim3A_75 = arith.constant 0.000000e+00 : f32
      %broadcast_in_dim3A_76 = vector.broadcast %broadcast_in_dim3A_75 : f32 to vector<16xf32>
      %broadcast_in_dim3A_77 = arith.constant 0.000000e+00 : f32
      %broadcast_in_dim3A_78 = vector.broadcast %broadcast_in_dim3A_77 : f32 to vector<16xf32>
      %broadcast_in_dim3A_79 = arith.constant 0.000000e+00 : f32
      %broadcast_in_dim3A_80 = vector.broadcast %broadcast_in_dim3A_79 : f32 to vector<16xf32>
      %broadcast_in_dim3A_81 = arith.constant 0.000000e+00 : f32
      %broadcast_in_dim3A_82 = vector.broadcast %broadcast_in_dim3A_81 : f32 to vector<16xf32>
      %broadcast_in_dim3A_83 = arith.constant 0.000000e+00 : f32
      %broadcast_in_dim3A_84 = vector.broadcast %broadcast_in_dim3A_83 : f32 to vector<16xf32>
      %broadcast_in_dim3A_85 = arith.constant 0.000000e+00 : f32
      %broadcast_in_dim3A_86 = vector.broadcast %broadcast_in_dim3A_85 : f32 to vector<16xf32>
      %broadcast_in_dim3A_87 = arith.constant 0.000000e+00 : f32
      %broadcast_in_dim3A_88 = vector.broadcast %broadcast_in_dim3A_87 : f32 to vector<16xf32>
      %broadcast_in_dim3A_89 = arith.constant 0.000000e+00 : f32
      %broadcast_in_dim3A_90 = vector.broadcast %broadcast_in_dim3A_89 : f32 to vector<16xf32>
      %parallel_loop3A = arith.constant 0 : i32
      %parallel_loop3A_91 = arith.constant 2048 : i32
      %parallel_loop3A_92 = arith.constant 16 : i32
      %parallel_loop3A_93:16 = scf.for %parallel_loop3A_738 = %parallel_loop3A to %parallel_loop3A_91 step %parallel_loop3A_92 iter_args(%parallel_loop3A_739 = %broadcast_in_dim3A_60, %parallel_loop3A_740 = %broadcast_in_dim3A_62, %parallel_loop3A_741 = %broadcast_in_dim3A_64, %parallel_loop3A_742 = %broadcast_in_dim3A_66, %parallel_loop3A_743 = %broadcast_in_dim3A_68, %parallel_loop3A_744 = %broadcast_in_dim3A_70, %parallel_loop3A_745 = %broadcast_in_dim3A_72, %parallel_loop3A_746 = %broadcast_in_dim3A_74, %parallel_loop3A_747 = %broadcast_in_dim3A_76, %parallel_loop3A_748 = %broadcast_in_dim3A_78, %parallel_loop3A_749 = %broadcast_in_dim3A_80, %parallel_loop3A_750 = %broadcast_in_dim3A_82, %parallel_loop3A_751 = %broadcast_in_dim3A_84, %parallel_loop3A_752 = %broadcast_in_dim3A_86, %parallel_loop3A_753 = %broadcast_in_dim3A_88, %parallel_loop3A_754 = %broadcast_in_dim3A_90) -> (vector<16xf32>, vector<16xf32>, vector<16xf32>, vector<16xf32>, vector<16xf32>, vector<16xf32>, vector<16xf32>, vector<16xf32>, vector<16xf32>, vector<16xf32>, vector<16xf32>, vector<16xf32>, vector<16xf32>, vector<16xf32>, vector<16xf32>, vector<16xf32>)  : i32 {
        %parallel_loop3A_755 = arith.constant 0 : i32
        %parallel_loop3A_756 = arith.index_cast %rem3A_47 : i32 to index
        %parallel_loop3A_757 = arith.index_cast %parallel_loop3A_755 : i32 to index
        %parallel_loop3A_758 = arith.index_cast %parallel_loop3A_738 : i32 to index
        %parallel_loop3A_759 = tpu.vector_load %arg8[%parallel_loop3A_756, %parallel_loop3A_757, %parallel_loop3A_758] {strides = array<i32>} : memref<3x16x2048xf32, #tpu.memory_space<vmem>>, vector<1x1x16xf32>,
        %parallel_loop3A_760 = vector.shape_cast %parallel_loop3A_759 : vector<1x1x16xf32> to vector<16xf32>
        %parallel_loop3A_761 = arith.mulf %parallel_loop3A_760, %parallel_loop3A_760 : vector<16xf32>
        %parallel_loop3A_762 = arith.addf %parallel_loop3A_739, %parallel_loop3A_761 : vector<16xf32>
        %parallel_loop3A_763 = arith.constant 1 : i32
        %parallel_loop3A_764 = arith.index_cast %rem3A_47 : i32 to index
        %parallel_loop3A_765 = arith.index_cast %parallel_loop3A_763 : i32 to index
        %parallel_loop3A_766 = arith.index_cast %parallel_loop3A_738 : i32 to index
        %parallel_loop3A_767 = tpu.vector_load %arg8[%parallel_loop3A_764, %parallel_loop3A_765, %parallel_loop3A_766] {strides = array<i32>} : memref<3x16x2048xf32, #tpu.memory_space<vmem>>, vector<1x1x16xf32>,
        %parallel_loop3A_768 = vector.shape_cast %parallel_loop3A_767 : vector<1x1x16xf32> to vector<16xf32>
        %parallel_loop3A_769 = arith.mulf %parallel_loop3A_768, %parallel_loop3A_768 : vector<16xf32>
        %parallel_loop3A_770 = arith.addf %parallel_loop3A_740, %parallel_loop3A_769 : vector<16xf32>
        %parallel_loop3A_771 = arith.constant 2 : i32
        %parallel_loop3A_772 = arith.index_cast %rem3A_47 : i32 to index
        %parallel_loop3A_773 = arith.index_cast %parallel_loop3A_771 : i32 to index
        %parallel_loop3A_774 = arith.index_cast %parallel_loop3A_738 : i32 to index
        %parallel_loop3A_775 = tpu.vector_load %arg8[%parallel_loop3A_772, %parallel_loop3A_773, %parallel_loop3A_774] {strides = array<i32>} : memref<3x16x2048xf32, #tpu.memory_space<vmem>>, vector<1x1x16xf32>,
        %parallel_loop3A_776 = vector.shape_cast %parallel_loop3A_775 : vector<1x1x16xf32> to vector<16xf32>
        %parallel_loop3A_777 = arith.mulf %parallel_loop3A_776, %parallel_loop3A_776 : vector<16xf32>
        %parallel_loop3A_778 = arith.addf %parallel_loop3A_741, %parallel_loop3A_777 : vector<16xf32>
        %parallel_loop3A_779 = arith.constant 3 : i32
        %parallel_loop3A_780 = arith.index_cast %rem3A_47 : i32 to index
        %parallel_loop3A_781 = arith.index_cast %parallel_loop3A_779 : i32 to index
        %parallel_loop3A_782 = arith.index_cast %parallel_loop3A_738 : i32 to index
        %parallel_loop3A_783 = tpu.vector_load %arg8[%parallel_loop3A_780, %parallel_loop3A_781, %parallel_loop3A_782] {strides = array<i32>} : memref<3x16x2048xf32, #tpu.memory_space<vmem>>, vector<1x1x16xf32>,
        %parallel_loop3A_784 = vector.shape_cast %parallel_loop3A_783 : vector<1x1x16xf32> to vector<16xf32>
        %parallel_loop3A_785 = arith.mulf %parallel_loop3A_784, %parallel_loop3A_784 : vector<16xf32>
        %parallel_loop3A_786 = arith.addf %parallel_loop3A_742, %parallel_loop3A_785 : vector<16xf32>
        %parallel_loop3A_787 = arith.constant 4 : i32
        %parallel_loop3A_788 = arith.index_cast %rem3A_47 : i32 to index
        %parallel_loop3A_789 = arith.index_cast %parallel_loop3A_787 : i32 to index
        %parallel_loop3A_790 = arith.index_cast %parallel_loop3A_738 : i32 to index
        %parallel_loop3A_791 = tpu.vector_load %arg8[%parallel_loop3A_788, %parallel_loop3A_789, %parallel_loop3A_790] {strides = array<i32>} : memref<3x16x2048xf32, #tpu.memory_space<vmem>>, vector<1x1x16xf32>,
        %parallel_loop3A_792 = vector.shape_cast %parallel_loop3A_791 : vector<1x1x16xf32> to vector<16xf32>
        %parallel_loop3A_793 = arith.mulf %parallel_loop3A_792, %parallel_loop3A_792 : vector<16xf32>
        %parallel_loop3A_794 = arith.addf %parallel_loop3A_743, %parallel_loop3A_793 : vector<16xf32>
        %parallel_loop3A_795 = arith.constant 5 : i32
        %parallel_loop3A_796 = arith.index_cast %rem3A_47 : i32 to index
        %parallel_loop3A_797 = arith.index_cast %parallel_loop3A_795 : i32 to index
        %parallel_loop3A_798 = arith.index_cast %parallel_loop3A_738 : i32 to index
        %parallel_loop3A_799 = tpu.vector_load %arg8[%parallel_loop3A_796, %parallel_loop3A_797, %parallel_loop3A_798] {strides = array<i32>} : memref<3x16x2048xf32, #tpu.memory_space<vmem>>, vector<1x1x16xf32>,
        %parallel_loop3A_800 = vector.shape_cast %parallel_loop3A_799 : vector<1x1x16xf32> to vector<16xf32>
        %parallel_loop3A_801 = arith.mulf %parallel_loop3A_800, %parallel_loop3A_800 : vector<16xf32>
        %parallel_loop3A_802 = arith.addf %parallel_loop3A_744, %parallel_loop3A_801 : vector<16xf32>
        %parallel_loop3A_803 = arith.constant 6 : i32
        %parallel_loop3A_804 = arith.index_cast %rem3A_47 : i32 to index
        %parallel_loop3A_805 = arith.index_cast %parallel_loop3A_803 : i32 to index
        %parallel_loop3A_806 = arith.index_cast %parallel_loop3A_738 : i32 to index
        %parallel_loop3A_807 = tpu.vector_load %arg8[%parallel_loop3A_804, %parallel_loop3A_805, %parallel_loop3A_806] {strides = array<i32>} : memref<3x16x2048xf32, #tpu.memory_space<vmem>>, vector<1x1x16xf32>,
        %parallel_loop3A_808 = vector.shape_cast %parallel_loop3A_807 : vector<1x1x16xf32> to vector<16xf32>
        %parallel_loop3A_809 = arith.mulf %parallel_loop3A_808, %parallel_loop3A_808 : vector<16xf32>
        %parallel_loop3A_810 = arith.addf %parallel_loop3A_745, %parallel_loop3A_809 : vector<16xf32>
        %parallel_loop3A_811 = arith.constant 7 : i32
        %parallel_loop3A_812 = arith.index_cast %rem3A_47 : i32 to index
        %parallel_loop3A_813 = arith.index_cast %parallel_loop3A_811 : i32 to index
        %parallel_loop3A_814 = arith.index_cast %parallel_loop3A_738 : i32 to index
        %parallel_loop3A_815 = tpu.vector_load %arg8[%parallel_loop3A_812, %parallel_loop3A_813, %parallel_loop3A_814] {strides = array<i32>} : memref<3x16x2048xf32, #tpu.memory_space<vmem>>, vector<1x1x16xf32>,
        %parallel_loop3A_816 = vector.shape_cast %parallel_loop3A_815 : vector<1x1x16xf32> to vector<16xf32>
        %parallel_loop3A_817 = arith.mulf %parallel_loop3A_816, %parallel_loop3A_816 : vector<16xf32>
        %parallel_loop3A_818 = arith.addf %parallel_loop3A_746, %parallel_loop3A_817 : vector<16xf32>
        %parallel_loop3A_819 = arith.constant 8 : i32
        %parallel_loop3A_820 = arith.index_cast %rem3A_47 : i32 to index
        %parallel_loop3A_821 = arith.index_cast %parallel_loop3A_819 : i32 to index
        %parallel_loop3A_822 = arith.index_cast %parallel_loop3A_738 : i32 to index
        %parallel_loop3A_823 = tpu.vector_load %arg8[%parallel_loop3A_820, %parallel_loop3A_821, %parallel_loop3A_822] {strides = array<i32>} : memref<3x16x2048xf32, #tpu.memory_space<vmem>>, vector<1x1x16xf32>,
        %parallel_loop3A_824 = vector.shape_cast %parallel_loop3A_823 : vector<1x1x16xf32> to vector<16xf32>
        %parallel_loop3A_825 = arith.mulf %parallel_loop3A_824, %parallel_loop3A_824 : vector<16xf32>
        %parallel_loop3A_826 = arith.addf %parallel_loop3A_747, %parallel_loop3A_825 : vector<16xf32>
        %parallel_loop3A_827 = arith.constant 9 : i32
        %parallel_loop3A_828 = arith.index_cast %rem3A_47 : i32 to index
        %parallel_loop3A_829 = arith.index_cast %parallel_loop3A_827 : i32 to index
        %parallel_loop3A_830 = arith.index_cast %parallel_loop3A_738 : i32 to index
        %parallel_loop3A_831 = tpu.vector_load %arg8[%parallel_loop3A_828, %parallel_loop3A_829, %parallel_loop3A_830] {strides = array<i32>} : memref<3x16x2048xf32, #tpu.memory_space<vmem>>, vector<1x1x16xf32>,
        %parallel_loop3A_832 = vector.shape_cast %parallel_loop3A_831 : vector<1x1x16xf32> to vector<16xf32>
        %parallel_loop3A_833 = arith.mulf %parallel_loop3A_832, %parallel_loop3A_832 : vector<16xf32>
        %parallel_loop3A_834 = arith.addf %parallel_loop3A_748, %parallel_loop3A_833 : vector<16xf32>
        %parallel_loop3A_835 = arith.constant 10 : i32
        %parallel_loop3A_836 = arith.index_cast %rem3A_47 : i32 to index
        %parallel_loop3A_837 = arith.index_cast %parallel_loop3A_835 : i32 to index
        %parallel_loop3A_838 = arith.index_cast %parallel_loop3A_738 : i32 to index
        %parallel_loop3A_839 = tpu.vector_load %arg8[%parallel_loop3A_836, %parallel_loop3A_837, %parallel_loop3A_838] {strides = array<i32>} : memref<3x16x2048xf32, #tpu.memory_space<vmem>>, vector<1x1x16xf32>,
        %parallel_loop3A_840 = vector.shape_cast %parallel_loop3A_839 : vector<1x1x16xf32> to vector<16xf32>
        %parallel_loop3A_841 = arith.mulf %parallel_loop3A_840, %parallel_loop3A_840 : vector<16xf32>
        %parallel_loop3A_842 = arith.addf %parallel_loop3A_749, %parallel_loop3A_841 : vector<16xf32>
        %parallel_loop3A_843 = arith.constant 11 : i32
        %parallel_loop3A_844 = arith.index_cast %rem3A_47 : i32 to index
        %parallel_loop3A_845 = arith.index_cast %parallel_loop3A_843 : i32 to index
        %parallel_loop3A_846 = arith.index_cast %parallel_loop3A_738 : i32 to index
        %parallel_loop3A_847 = tpu.vector_load %arg8[%parallel_loop3A_844, %parallel_loop3A_845, %parallel_loop3A_846] {strides = array<i32>} : memref<3x16x2048xf32, #tpu.memory_space<vmem>>, vector<1x1x16xf32>,
        %parallel_loop3A_848 = vector.shape_cast %parallel_loop3A_847 : vector<1x1x16xf32> to vector<16xf32>
        %parallel_loop3A_849 = arith.mulf %parallel_loop3A_848, %parallel_loop3A_848 : vector<16xf32>
        %parallel_loop3A_850 = arith.addf %parallel_loop3A_750, %parallel_loop3A_849 : vector<16xf32>
        %parallel_loop3A_851 = arith.constant 12 : i32
        %parallel_loop3A_852 = arith.index_cast %rem3A_47 : i32 to index
        %parallel_loop3A_853 = arith.index_cast %parallel_loop3A_851 : i32 to index
        %parallel_loop3A_854 = arith.index_cast %parallel_loop3A_738 : i32 to index
        %parallel_loop3A_855 = tpu.vector_load %arg8[%parallel_loop3A_852, %parallel_loop3A_853, %parallel_loop3A_854] {strides = array<i32>} : memref<3x16x2048xf32, #tpu.memory_space<vmem>>, vector<1x1x16xf32>,
        %parallel_loop3A_856 = vector.shape_cast %parallel_loop3A_855 : vector<1x1x16xf32> to vector<16xf32>
        %parallel_loop3A_857 = arith.mulf %parallel_loop3A_856, %parallel_loop3A_856 : vector<16xf32>
        %parallel_loop3A_858 = arith.addf %parallel_loop3A_751, %parallel_loop3A_857 : vector<16xf32>
        %parallel_loop3A_859 = arith.constant 13 : i32
        %parallel_loop3A_860 = arith.index_cast %rem3A_47 : i32 to index
        %parallel_loop3A_861 = arith.index_cast %parallel_loop3A_859 : i32 to index
        %parallel_loop3A_862 = arith.index_cast %parallel_loop3A_738 : i32 to index
        %parallel_loop3A_863 = tpu.vector_load %arg8[%parallel_loop3A_860, %parallel_loop3A_861, %parallel_loop3A_862] {strides = array<i32>} : memref<3x16x2048xf32, #tpu.memory_space<vmem>>, vector<1x1x16xf32>,
        %parallel_loop3A_864 = vector.shape_cast %parallel_loop3A_863 : vector<1x1x16xf32> to vector<16xf32>
        %parallel_loop3A_865 = arith.mulf %parallel_loop3A_864, %parallel_loop3A_864 : vector<16xf32>
        %parallel_loop3A_866 = arith.addf %parallel_loop3A_752, %parallel_loop3A_865 : vector<16xf32>
        %parallel_loop3A_867 = arith.constant 14 : i32
        %parallel_loop3A_868 = arith.index_cast %rem3A_47 : i32 to index
        %parallel_loop3A_869 = arith.index_cast %parallel_loop3A_867 : i32 to index
        %parallel_loop3A_870 = arith.index_cast %parallel_loop3A_738 : i32 to index
        %parallel_loop3A_871 = tpu.vector_load %arg8[%parallel_loop3A_868, %parallel_loop3A_869, %parallel_loop3A_870] {strides = array<i32>} : memref<3x16x2048xf32, #tpu.memory_space<vmem>>, vector<1x1x16xf32>,
        %parallel_loop3A_872 = vector.shape_cast %parallel_loop3A_871 : vector<1x1x16xf32> to vector<16xf32>
        %parallel_loop3A_873 = arith.mulf %parallel_loop3A_872, %parallel_loop3A_872 : vector<16xf32>
        %parallel_loop3A_874 = arith.addf %parallel_loop3A_753, %parallel_loop3A_873 : vector<16xf32>
        %parallel_loop3A_875 = arith.constant 15 : i32
        %parallel_loop3A_876 = arith.index_cast %rem3A_47 : i32 to index
        %parallel_loop3A_877 = arith.index_cast %parallel_loop3A_875 : i32 to index
        %parallel_loop3A_878 = arith.index_cast %parallel_loop3A_738 : i32 to index
        %parallel_loop3A_879 = tpu.vector_load %arg8[%parallel_loop3A_876, %parallel_loop3A_877, %parallel_loop3A_878] {strides = array<i32>} : memref<3x16x2048xf32, #tpu.memory_space<vmem>>, vector<1x1x16xf32>,
        %parallel_loop3A_880 = vector.shape_cast %parallel_loop3A_879 : vector<1x1x16xf32> to vector<16xf32>
        %parallel_loop3A_881 = arith.mulf %parallel_loop3A_880, %parallel_loop3A_880 : vector<16xf32>
        %parallel_loop3A_882 = arith.addf %parallel_loop3A_754, %parallel_loop3A_881 : vector<16xf32>
        scf.yield %parallel_loop3A_762, %parallel_loop3A_770, %parallel_loop3A_778, %parallel_loop3A_786, %parallel_loop3A_794, %parallel_loop3A_802, %parallel_loop3A_810, %parallel_loop3A_818, %parallel_loop3A_826, %parallel_loop3A_834, %parallel_loop3A_842, %parallel_loop3A_850, %parallel_loop3A_858, %parallel_loop3A_866, %parallel_loop3A_874, %parallel_loop3A_882 : vector<16xf32>, vector<16xf32>, vector<16xf32>, vector<16xf32>, vector<16xf32>, vector<16xf32>, vector<16xf32>, vector<16xf32>, vector<16xf32>, vector<16xf32>, vector<16xf32>, vector<16xf32>, vector<16xf32>, vector<16xf32>, vector<16xf32>, vector<16xf32>
      } {sc.loop_unroll_factor = 2 : i64, sc.parallel_access}
      %shift_right_arithmetic3A = arith.constant 0 : i32
      %shift_right_arithmetic3A_94 = vector.broadcast %shift_right_arithmetic3A : i32 to vector<16xi32>
      %shift_right_arithmetic3A_95 = arith.shrsi %iota3A, %shift_right_arithmetic3A_94 : vector<16xi32>
      %and3A = arith.constant 1 : i32
      %and3A_96 = vector.broadcast %and3A : i32 to vector<16xi32>
      %and3A_97 = arith.andi %shift_right_arithmetic3A_95, %and3A_96 : vector<16xi32>
      %eq3A_98 = arith.constant 0 : i32
      %eq3A_99 = vector.broadcast %eq3A_98 : i32 to vector<16xi32>
      %eq3A_100 = arith.cmpi eq, %and3A_97, %eq3A_99 : vector<16xi32>
      %xor3A = arith.constant 1 : i32
      %xor3A_101 = vector.broadcast %xor3A : i32 to vector<16xi32>
      %xor3A_102 = arith.xori %iota3A, %xor3A_101 : vector<16xi32>
      %lt3A = arith.constant 0 : i32
      %lt3A_103 = vector.broadcast %lt3A : i32 to vector<16xi32>
      %lt3A_104 = arith.cmpi slt, %xor3A_102, %lt3A_103 : vector<16xi32>
      %add3A_105 = arith.constant 16 : i32
      %add3A_106 = vector.broadcast %add3A_105 : i32 to vector<16xi32>
      %add3A_107 = arith.addi %xor3A_102, %add3A_106 : vector<16xi32>
      %select_n3A = arith.select %lt3A_104, %add3A_107, %xor3A_102 : vector<16xi1>, vector<16xi32>
      %broadcast_in_dim3A_108 = vector.shape_cast %select_n3A : vector<16xi32> to vector<16x1xi32>
      %gather3A = vector.shape_cast %broadcast_in_dim3A_108 : vector<16x1xi32> to vector<16xi32>
      %gather3A_109 = tpu.dynamic_gather %parallel_loop3A_93#0[%gather3A] in [0] : vector<16xf32>, vector<16xi32> -> vector<16xf32>
      %lt3A_110 = arith.constant 0 : i32
      %lt3A_111 = vector.broadcast %lt3A_110 : i32 to vector<16xi32>
      %lt3A_112 = arith.cmpi slt, %xor3A_102, %lt3A_111 : vector<16xi32>
      %add3A_113 = arith.constant 16 : i32
      %add3A_114 = vector.broadcast %add3A_113 : i32 to vector<16xi32>
      %add3A_115 = arith.addi %xor3A_102, %add3A_114 : vector<16xi32>
      %select_n3A_116 = arith.select %lt3A_112, %add3A_115, %xor3A_102 : vector<16xi1>, vector<16xi32>
      %broadcast_in_dim3A_117 = vector.shape_cast %select_n3A_116 : vector<16xi32> to vector<16x1xi32>
      %gather3A_118 = vector.shape_cast %broadcast_in_dim3A_117 : vector<16x1xi32> to vector<16xi32>
      %gather3A_119 = tpu.dynamic_gather %parallel_loop3A_93#1[%gather3A_118] in [0] : vector<16xf32>, vector<16xi32> -> vector<16xf32>
      %select_n3A_120 = arith.select %eq3A_100, %parallel_loop3A_93#0, %parallel_loop3A_93#1 : vector<16xi1>, vector<16xf32>
      %select_n3A_121 = arith.select %eq3A_100, %gather3A_109, %gather3A_119 : vector<16xi1>, vector<16xf32>
      %add3A_122 = arith.addf %select_n3A_120, %select_n3A_121 : vector<16xf32>
      %lt3A_123 = arith.constant 0 : i32
      %lt3A_124 = vector.broadcast %lt3A_123 : i32 to vector<16xi32>
      %lt3A_125 = arith.cmpi slt, %xor3A_102, %lt3A_124 : vector<16xi32>
      %add3A_126 = arith.constant 16 : i32
      %add3A_127 = vector.broadcast %add3A_126 : i32 to vector<16xi32>
      %add3A_128 = arith.addi %xor3A_102, %add3A_127 : vector<16xi32>
      %select_n3A_129 = arith.select %lt3A_125, %add3A_128, %xor3A_102 : vector<16xi1>, vector<16xi32>
      %broadcast_in_dim3A_130 = vector.shape_cast %select_n3A_129 : vector<16xi32> to vector<16x1xi32>
      %gather3A_131 = vector.shape_cast %broadcast_in_dim3A_130 : vector<16x1xi32> to vector<16xi32>
      %gather3A_132 = tpu.dynamic_gather %parallel_loop3A_93#2[%gather3A_131] in [0] : vector<16xf32>, vector<16xi32> -> vector<16xf32>
      %lt3A_133 = arith.constant 0 : i32
      %lt3A_134 = vector.broadcast %lt3A_133 : i32 to vector<16xi32>
      %lt3A_135 = arith.cmpi slt, %xor3A_102, %lt3A_134 : vector<16xi32>
      %add3A_136 = arith.constant 16 : i32
      %add3A_137 = vector.broadcast %add3A_136 : i32 to vector<16xi32>
      %add3A_138 = arith.addi %xor3A_102, %add3A_137 : vector<16xi32>
      %select_n3A_139 = arith.select %lt3A_135, %add3A_138, %xor3A_102 : vector<16xi1>, vector<16xi32>
      %broadcast_in_dim3A_140 = vector.shape_cast %select_n3A_139 : vector<16xi32> to vector<16x1xi32>
      %gather3A_141 = vector.shape_cast %broadcast_in_dim3A_140 : vector<16x1xi32> to vector<16xi32>
      %gather3A_142 = tpu.dynamic_gather %parallel_loop3A_93#3[%gather3A_141] in [0] : vector<16xf32>, vector<16xi32> -> vector<16xf32>
      %select_n3A_143 = arith.select %eq3A_100, %parallel_loop3A_93#2, %parallel_loop3A_93#3 : vector<16xi1>, vector<16xf32>
      %select_n3A_144 = arith.select %eq3A_100, %gather3A_132, %gather3A_142 : vector<16xi1>, vector<16xf32>
      %add3A_145 = arith.addf %select_n3A_143, %select_n3A_144 : vector<16xf32>
      %lt3A_146 = arith.constant 0 : i32
      %lt3A_147 = vector.broadcast %lt3A_146 : i32 to vector<16xi32>
      %lt3A_148 = arith.cmpi slt, %xor3A_102, %lt3A_147 : vector<16xi32>
      %add3A_149 = arith.constant 16 : i32
      %add3A_150 = vector.broadcast %add3A_149 : i32 to vector<16xi32>
      %add3A_151 = arith.addi %xor3A_102, %add3A_150 : vector<16xi32>
      %select_n3A_152 = arith.select %lt3A_148, %add3A_151, %xor3A_102 : vector<16xi1>, vector<16xi32>
      %broadcast_in_dim3A_153 = vector.shape_cast %select_n3A_152 : vector<16xi32> to vector<16x1xi32>
      %gather3A_154 = vector.shape_cast %broadcast_in_dim3A_153 : vector<16x1xi32> to vector<16xi32>
      %gather3A_155 = tpu.dynamic_gather %parallel_loop3A_93#4[%gather3A_154] in [0] : vector<16xf32>, vector<16xi32> -> vector<16xf32>
      %lt3A_156 = arith.constant 0 : i32
      %lt3A_157 = vector.broadcast %lt3A_156 : i32 to vector<16xi32>
      %lt3A_158 = arith.cmpi slt, %xor3A_102, %lt3A_157 : vector<16xi32>
      %add3A_159 = arith.constant 16 : i32
      %add3A_160 = vector.broadcast %add3A_159 : i32 to vector<16xi32>
      %add3A_161 = arith.addi %xor3A_102, %add3A_160 : vector<16xi32>
      %select_n3A_162 = arith.select %lt3A_158, %add3A_161, %xor3A_102 : vector<16xi1>, vector<16xi32>
      %broadcast_in_dim3A_163 = vector.shape_cast %select_n3A_162 : vector<16xi32> to vector<16x1xi32>
      %gather3A_164 = vector.shape_cast %broadcast_in_dim3A_163 : vector<16x1xi32> to vector<16xi32>
      %gather3A_165 = tpu.dynamic_gather %parallel_loop3A_93#5[%gather3A_164] in [0] : vector<16xf32>, vector<16xi32> -> vector<16xf32>
      %select_n3A_166 = arith.select %eq3A_100, %parallel_loop3A_93#4, %parallel_loop3A_93#5 : vector<16xi1>, vector<16xf32>
      %select_n3A_167 = arith.select %eq3A_100, %gather3A_155, %gather3A_165 : vector<16xi1>, vector<16xf32>
      %add3A_168 = arith.addf %select_n3A_166, %select_n3A_167 : vector<16xf32>
      %lt3A_169 = arith.constant 0 : i32
      %lt3A_170 = vector.broadcast %lt3A_169 : i32 to vector<16xi32>
      %lt3A_171 = arith.cmpi slt, %xor3A_102, %lt3A_170 : vector<16xi32>
      %add3A_172 = arith.constant 16 : i32
      %add3A_173 = vector.broadcast %add3A_172 : i32 to vector<16xi32>
      %add3A_174 = arith.addi %xor3A_102, %add3A_173 : vector<16xi32>
      %select_n3A_175 = arith.select %lt3A_171, %add3A_174, %xor3A_102 : vector<16xi1>, vector<16xi32>
      %broadcast_in_dim3A_176 = vector.shape_cast %select_n3A_175 : vector<16xi32> to vector<16x1xi32>
      %gather3A_177 = vector.shape_cast %broadcast_in_dim3A_176 : vector<16x1xi32> to vector<16xi32>
      %gather3A_178 = tpu.dynamic_gather %parallel_loop3A_93#6[%gather3A_177] in [0] : vector<16xf32>, vector<16xi32> -> vector<16xf32>
      %lt3A_179 = arith.constant 0 : i32
      %lt3A_180 = vector.broadcast %lt3A_179 : i32 to vector<16xi32>
      %lt3A_181 = arith.cmpi slt, %xor3A_102, %lt3A_180 : vector<16xi32>
      %add3A_182 = arith.constant 16 : i32
      %add3A_183 = vector.broadcast %add3A_182 : i32 to vector<16xi32>
      %add3A_184 = arith.addi %xor3A_102, %add3A_183 : vector<16xi32>
      %select_n3A_185 = arith.select %lt3A_181, %add3A_184, %xor3A_102 : vector<16xi1>, vector<16xi32>
      %broadcast_in_dim3A_186 = vector.shape_cast %select_n3A_185 : vector<16xi32> to vector<16x1xi32>
      %gather3A_187 = vector.shape_cast %broadcast_in_dim3A_186 : vector<16x1xi32> to vector<16xi32>
      %gather3A_188 = tpu.dynamic_gather %parallel_loop3A_93#7[%gather3A_187] in [0] : vector<16xf32>, vector<16xi32> -> vector<16xf32>
      %select_n3A_189 = arith.select %eq3A_100, %parallel_loop3A_93#6, %parallel_loop3A_93#7 : vector<16xi1>, vector<16xf32>
      %select_n3A_190 = arith.select %eq3A_100, %gather3A_178, %gather3A_188 : vector<16xi1>, vector<16xf32>
      %add3A_191 = arith.addf %select_n3A_189, %select_n3A_190 : vector<16xf32>
      %lt3A_192 = arith.constant 0 : i32
      %lt3A_193 = vector.broadcast %lt3A_192 : i32 to vector<16xi32>
      %lt3A_194 = arith.cmpi slt, %xor3A_102, %lt3A_193 : vector<16xi32>
      %add3A_195 = arith.constant 16 : i32
      %add3A_196 = vector.broadcast %add3A_195 : i32 to vector<16xi32>
      %add3A_197 = arith.addi %xor3A_102, %add3A_196 : vector<16xi32>
      %select_n3A_198 = arith.select %lt3A_194, %add3A_197, %xor3A_102 : vector<16xi1>, vector<16xi32>
      %broadcast_in_dim3A_199 = vector.shape_cast %select_n3A_198 : vector<16xi32> to vector<16x1xi32>
      %gather3A_200 = vector.shape_cast %broadcast_in_dim3A_199 : vector<16x1xi32> to vector<16xi32>
      %gather3A_201 = tpu.dynamic_gather %parallel_loop3A_93#8[%gather3A_200] in [0] : vector<16xf32>, vector<16xi32> -> vector<16xf32>
      %lt3A_202 = arith.constant 0 : i32
      %lt3A_203 = vector.broadcast %lt3A_202 : i32 to vector<16xi32>
      %lt3A_204 = arith.cmpi slt, %xor3A_102, %lt3A_203 : vector<16xi32>
      %add3A_205 = arith.constant 16 : i32
      %add3A_206 = vector.broadcast %add3A_205 : i32 to vector<16xi32>
      %add3A_207 = arith.addi %xor3A_102, %add3A_206 : vector<16xi32>
      %select_n3A_208 = arith.select %lt3A_204, %add3A_207, %xor3A_102 : vector<16xi1>, vector<16xi32>
      %broadcast_in_dim3A_209 = vector.shape_cast %select_n3A_208 : vector<16xi32> to vector<16x1xi32>
      %gather3A_210 = vector.shape_cast %broadcast_in_dim3A_209 : vector<16x1xi32> to vector<16xi32>
      %gather3A_211 = tpu.dynamic_gather %parallel_loop3A_93#9[%gather3A_210] in [0] : vector<16xf32>, vector<16xi32> -> vector<16xf32>
      %select_n3A_212 = arith.select %eq3A_100, %parallel_loop3A_93#8, %parallel_loop3A_93#9 : vector<16xi1>, vector<16xf32>
      %select_n3A_213 = arith.select %eq3A_100, %gather3A_201, %gather3A_211 : vector<16xi1>, vector<16xf32>
      %add3A_214 = arith.addf %select_n3A_212, %select_n3A_213 : vector<16xf32>
      %lt3A_215 = arith.constant 0 : i32
      %lt3A_216 = vector.broadcast %lt3A_215 : i32 to vector<16xi32>
      %lt3A_217 = arith.cmpi slt, %xor3A_102, %lt3A_216 : vector<16xi32>
      %add3A_218 = arith.constant 16 : i32
      %add3A_219 = vector.broadcast %add3A_218 : i32 to vector<16xi32>
      %add3A_220 = arith.addi %xor3A_102, %add3A_219 : vector<16xi32>
      %select_n3A_221 = arith.select %lt3A_217, %add3A_220, %xor3A_102 : vector<16xi1>, vector<16xi32>
      %broadcast_in_dim3A_222 = vector.shape_cast %select_n3A_221 : vector<16xi32> to vector<16x1xi32>
      %gather3A_223 = vector.shape_cast %broadcast_in_dim3A_222 : vector<16x1xi32> to vector<16xi32>
      %gather3A_224 = tpu.dynamic_gather %parallel_loop3A_93#10[%gather3A_223] in [0] : vector<16xf32>, vector<16xi32> -> vector<16xf32>
      %lt3A_225 = arith.constant 0 : i32
      %lt3A_226 = vector.broadcast %lt3A_225 : i32 to vector<16xi32>
      %lt3A_227 = arith.cmpi slt, %xor3A_102, %lt3A_226 : vector<16xi32>
      %add3A_228 = arith.constant 16 : i32
      %add3A_229 = vector.broadcast %add3A_228 : i32 to vector<16xi32>
      %add3A_230 = arith.addi %xor3A_102, %add3A_229 : vector<16xi32>
      %select_n3A_231 = arith.select %lt3A_227, %add3A_230, %xor3A_102 : vector<16xi1>, vector<16xi32>
      %broadcast_in_dim3A_232 = vector.shape_cast %select_n3A_231 : vector<16xi32> to vector<16x1xi32>
      %gather3A_233 = vector.shape_cast %broadcast_in_dim3A_232 : vector<16x1xi32> to vector<16xi32>
      %gather3A_234 = tpu.dynamic_gather %parallel_loop3A_93#11[%gather3A_233] in [0] : vector<16xf32>, vector<16xi32> -> vector<16xf32>
      %select_n3A_235 = arith.select %eq3A_100, %parallel_loop3A_93#10, %parallel_loop3A_93#11 : vector<16xi1>, vector<16xf32>
      %select_n3A_236 = arith.select %eq3A_100, %gather3A_224, %gather3A_234 : vector<16xi1>, vector<16xf32>
      %add3A_237 = arith.addf %select_n3A_235, %select_n3A_236 : vector<16xf32>
      %lt3A_238 = arith.constant 0 : i32
      %lt3A_239 = vector.broadcast %lt3A_238 : i32 to vector<16xi32>
      %lt3A_240 = arith.cmpi slt, %xor3A_102, %lt3A_239 : vector<16xi32>
      %add3A_241 = arith.constant 16 : i32
      %add3A_242 = vector.broadcast %add3A_241 : i32 to vector<16xi32>
      %add3A_243 = arith.addi %xor3A_102, %add3A_242 : vector<16xi32>
      %select_n3A_244 = arith.select %lt3A_240, %add3A_243, %xor3A_102 : vector<16xi1>, vector<16xi32>
      %broadcast_in_dim3A_245 = vector.shape_cast %select_n3A_244 : vector<16xi32> to vector<16x1xi32>
      %gather3A_246 = vector.shape_cast %broadcast_in_dim3A_245 : vector<16x1xi32> to vector<16xi32>
      %gather3A_247 = tpu.dynamic_gather %parallel_loop3A_93#12[%gather3A_246] in [0] : vector<16xf32>, vector<16xi32> -> vector<16xf32>
      %lt3A_248 = arith.constant 0 : i32
      %lt3A_249 = vector.broadcast %lt3A_248 : i32 to vector<16xi32>
      %lt3A_250 = arith.cmpi slt, %xor3A_102, %lt3A_249 : vector<16xi32>
      %add3A_251 = arith.constant 16 : i32
      %add3A_252 = vector.broadcast %add3A_251 : i32 to vector<16xi32>
      %add3A_253 = arith.addi %xor3A_102, %add3A_252 : vector<16xi32>
      %select_n3A_254 = arith.select %lt3A_250, %add3A_253, %xor3A_102 : vector<16xi1>, vector<16xi32>
      %broadcast_in_dim3A_255 = vector.shape_cast %select_n3A_254 : vector<16xi32> to vector<16x1xi32>
      %gather3A_256 = vector.shape_cast %broadcast_in_dim3A_255 : vector<16x1xi32> to vector<16xi32>
      %gather3A_257 = tpu.dynamic_gather %parallel_loop3A_93#13[%gather3A_256] in [0] : vector<16xf32>, vector<16xi32> -> vector<16xf32>
      %select_n3A_258 = arith.select %eq3A_100, %parallel_loop3A_93#12, %parallel_loop3A_93#13 : vector<16xi1>, vector<16xf32>
      %select_n3A_259 = arith.select %eq3A_100, %gather3A_247, %gather3A_257 : vector<16xi1>, vector<16xf32>
      %add3A_260 = arith.addf %select_n3A_258, %select_n3A_259 : vector<16xf32>
      %lt3A_261 = arith.constant 0 : i32
      %lt3A_262 = vector.broadcast %lt3A_261 : i32 to vector<16xi32>
      %lt3A_263 = arith.cmpi slt, %xor3A_102, %lt3A_262 : vector<16xi32>
      %add3A_264 = arith.constant 16 : i32
      %add3A_265 = vector.broadcast %add3A_264 : i32 to vector<16xi32>
      %add3A_266 = arith.addi %xor3A_102, %add3A_265 : vector<16xi32>
      %select_n3A_267 = arith.select %lt3A_263, %add3A_266, %xor3A_102 : vector<16xi1>, vector<16xi32>
      %broadcast_in_dim3A_268 = vector.shape_cast %select_n3A_267 : vector<16xi32> to vector<16x1xi32>
      %gather3A_269 = vector.shape_cast %broadcast_in_dim3A_268 : vector<16x1xi32> to vector<16xi32>
      %gather3A_270 = tpu.dynamic_gather %parallel_loop3A_93#14[%gather3A_269] in [0] : vector<16xf32>, vector<16xi32> -> vector<16xf32>
      %lt3A_271 = arith.constant 0 : i32
      %lt3A_272 = vector.broadcast %lt3A_271 : i32 to vector<16xi32>
      %lt3A_273 = arith.cmpi slt, %xor3A_102, %lt3A_272 : vector<16xi32>
      %add3A_274 = arith.constant 16 : i32
      %add3A_275 = vector.broadcast %add3A_274 : i32 to vector<16xi32>
      %add3A_276 = arith.addi %xor3A_102, %add3A_275 : vector<16xi32>
      %select_n3A_277 = arith.select %lt3A_273, %add3A_276, %xor3A_102 : vector<16xi1>, vector<16xi32>
      %broadcast_in_dim3A_278 = vector.shape_cast %select_n3A_277 : vector<16xi32> to vector<16x1xi32>
      %gather3A_279 = vector.shape_cast %broadcast_in_dim3A_278 : vector<16x1xi32> to vector<16xi32>
      %gather3A_280 = tpu.dynamic_gather %parallel_loop3A_93#15[%gather3A_279] in [0] : vector<16xf32>, vector<16xi32> -> vector<16xf32>
      %select_n3A_281 = arith.select %eq3A_100, %parallel_loop3A_93#14, %parallel_loop3A_93#15 : vector<16xi1>, vector<16xf32>
      %select_n3A_282 = arith.select %eq3A_100, %gather3A_270, %gather3A_280 : vector<16xi1>, vector<16xf32>
      %add3A_283 = arith.addf %select_n3A_281, %select_n3A_282 : vector<16xf32>
      %shift_right_arithmetic3A_284 = arith.constant 1 : i32
      %shift_right_arithmetic3A_285 = vector.broadcast %shift_right_arithmetic3A_284 : i32 to vector<16xi32>
      %shift_right_arithmetic3A_286 = arith.shrsi %iota3A, %shift_right_arithmetic3A_285 : vector<16xi32>
      %and3A_287 = arith.constant 1 : i32
      %and3A_288 = vector.broadcast %and3A_287 : i32 to vector<16xi32>
      %and3A_289 = arith.andi %shift_right_arithmetic3A_286, %and3A_288 : vector<16xi32>
      %eq3A_290 = arith.constant 0 : i32
      %eq3A_291 = vector.broadcast %eq3A_290 : i32 to vector<16xi32>
      %eq3A_292 = arith.cmpi eq, %and3A_289, %eq3A_291 : vector<16xi32>
      %xor3A_293 = arith.constant 2 : i32
      %xor3A_294 = vector.broadcast %xor3A_293 : i32 to vector<16xi32>
      %xor3A_295 = arith.xori %iota3A, %xor3A_294 : vector<16xi32>
      %lt3A_296 = arith.constant 0 : i32
      %lt3A_297 = vector.broadcast %lt3A_296 : i32 to vector<16xi32>
      %lt3A_298 = arith.cmpi slt, %xor3A_295, %lt3A_297 : vector<16xi32>
      %add3A_299 = arith.constant 16 : i32
      %add3A_300 = vector.broadcast %add3A_299 : i32 to vector<16xi32>
      %add3A_301 = arith.addi %xor3A_295, %add3A_300 : vector<16xi32>
      %select_n3A_302 = arith.select %lt3A_298, %add3A_301, %xor3A_295 : vector<16xi1>, vector<16xi32>
      %broadcast_in_dim3A_303 = vector.shape_cast %select_n3A_302 : vector<16xi32> to vector<16x1xi32>
      %gather3A_304 = vector.shape_cast %broadcast_in_dim3A_303 : vector<16x1xi32> to vector<16xi32>
      %gather3A_305 = tpu.dynamic_gather %add3A_122[%gather3A_304] in [0] : vector<16xf32>, vector<16xi32> -> vector<16xf32>
      %lt3A_306 = arith.constant 0 : i32
      %lt3A_307 = vector.broadcast %lt3A_306 : i32 to vector<16xi32>
      %lt3A_308 = arith.cmpi slt, %xor3A_295, %lt3A_307 : vector<16xi32>
      %add3A_309 = arith.constant 16 : i32
      %add3A_310 = vector.broadcast %add3A_309 : i32 to vector<16xi32>
      %add3A_311 = arith.addi %xor3A_295, %add3A_310 : vector<16xi32>
      %select_n3A_312 = arith.select %lt3A_308, %add3A_311, %xor3A_295 : vector<16xi1>, vector<16xi32>
      %broadcast_in_dim3A_313 = vector.shape_cast %select_n3A_312 : vector<16xi32> to vector<16x1xi32>
      %gather3A_314 = vector.shape_cast %broadcast_in_dim3A_313 : vector<16x1xi32> to vector<16xi32>
      %gather3A_315 = tpu.dynamic_gather %add3A_145[%gather3A_314] in [0] : vector<16xf32>, vector<16xi32> -> vector<16xf32>
      %select_n3A_316 = arith.select %eq3A_292, %add3A_122, %add3A_145 : vector<16xi1>, vector<16xf32>
      %select_n3A_317 = arith.select %eq3A_292, %gather3A_305, %gather3A_315 : vector<16xi1>, vector<16xf32>
      %add3A_318 = arith.addf %select_n3A_316, %select_n3A_317 : vector<16xf32>
      %lt3A_319 = arith.constant 0 : i32
      %lt3A_320 = vector.broadcast %lt3A_319 : i32 to vector<16xi32>
      %lt3A_321 = arith.cmpi slt, %xor3A_295, %lt3A_320 : vector<16xi32>
      %add3A_322 = arith.constant 16 : i32
      %add3A_323 = vector.broadcast %add3A_322 : i32 to vector<16xi32>
      %add3A_324 = arith.addi %xor3A_295, %add3A_323 : vector<16xi32>
      %select_n3A_325 = arith.select %lt3A_321, %add3A_324, %xor3A_295 : vector<16xi1>, vector<16xi32>
      %broadcast_in_dim3A_326 = vector.shape_cast %select_n3A_325 : vector<16xi32> to vector<16x1xi32>
      %gather3A_327 = vector.shape_cast %broadcast_in_dim3A_326 : vector<16x1xi32> to vector<16xi32>
      %gather3A_328 = tpu.dynamic_gather %add3A_168[%gather3A_327] in [0] : vector<16xf32>, vector<16xi32> -> vector<16xf32>
      %lt3A_329 = arith.constant 0 : i32
      %lt3A_330 = vector.broadcast %lt3A_329 : i32 to vector<16xi32>
      %lt3A_331 = arith.cmpi slt, %xor3A_295, %lt3A_330 : vector<16xi32>
      %add3A_332 = arith.constant 16 : i32
      %add3A_333 = vector.broadcast %add3A_332 : i32 to vector<16xi32>
      %add3A_334 = arith.addi %xor3A_295, %add3A_333 : vector<16xi32>
      %select_n3A_335 = arith.select %lt3A_331, %add3A_334, %xor3A_295 : vector<16xi1>, vector<16xi32>
      %broadcast_in_dim3A_336 = vector.shape_cast %select_n3A_335 : vector<16xi32> to vector<16x1xi32>
      %gather3A_337 = vector.shape_cast %broadcast_in_dim3A_336 : vector<16x1xi32> to vector<16xi32>
      %gather3A_338 = tpu.dynamic_gather %add3A_191[%gather3A_337] in [0] : vector<16xf32>, vector<16xi32> -> vector<16xf32>
      %select_n3A_339 = arith.select %eq3A_292, %add3A_168, %add3A_191 : vector<16xi1>, vector<16xf32>
      %select_n3A_340 = arith.select %eq3A_292, %gather3A_328, %gather3A_338 : vector<16xi1>, vector<16xf32>
      %add3A_341 = arith.addf %select_n3A_339, %select_n3A_340 : vector<16xf32>
      %lt3A_342 = arith.constant 0 : i32
      %lt3A_343 = vector.broadcast %lt3A_342 : i32 to vector<16xi32>
      %lt3A_344 = arith.cmpi slt, %xor3A_295, %lt3A_343 : vector<16xi32>
      %add3A_345 = arith.constant 16 : i32
      %add3A_346 = vector.broadcast %add3A_345 : i32 to vector<16xi32>
      %add3A_347 = arith.addi %xor3A_295, %add3A_346 : vector<16xi32>
      %select_n3A_348 = arith.select %lt3A_344, %add3A_347, %xor3A_295 : vector<16xi1>, vector<16xi32>
      %broadcast_in_dim3A_349 = vector.shape_cast %select_n3A_348 : vector<16xi32> to vector<16x1xi32>
      %gather3A_350 = vector.shape_cast %broadcast_in_dim3A_349 : vector<16x1xi32> to vector<16xi32>
      %gather3A_351 = tpu.dynamic_gather %add3A_214[%gather3A_350] in [0] : vector<16xf32>, vector<16xi32> -> vector<16xf32>
      %lt3A_352 = arith.constant 0 : i32
      %lt3A_353 = vector.broadcast %lt3A_352 : i32 to vector<16xi32>
      %lt3A_354 = arith.cmpi slt, %xor3A_295, %lt3A_353 : vector<16xi32>
      %add3A_355 = arith.constant 16 : i32
      %add3A_356 = vector.broadcast %add3A_355 : i32 to vector<16xi32>
      %add3A_357 = arith.addi %xor3A_295, %add3A_356 : vector<16xi32>
      %select_n3A_358 = arith.select %lt3A_354, %add3A_357, %xor3A_295 : vector<16xi1>, vector<16xi32>
      %broadcast_in_dim3A_359 = vector.shape_cast %select_n3A_358 : vector<16xi32> to vector<16x1xi32>
      %gather3A_360 = vector.shape_cast %broadcast_in_dim3A_359 : vector<16x1xi32> to vector<16xi32>
      %gather3A_361 = tpu.dynamic_gather %add3A_237[%gather3A_360] in [0] : vector<16xf32>, vector<16xi32> -> vector<16xf32>
      %select_n3A_362 = arith.select %eq3A_292, %add3A_214, %add3A_237 : vector<16xi1>, vector<16xf32>
      %select_n3A_363 = arith.select %eq3A_292, %gather3A_351, %gather3A_361 : vector<16xi1>, vector<16xf32>
      %add3A_364 = arith.addf %select_n3A_362, %select_n3A_363 : vector<16xf32>
      %lt3A_365 = arith.constant 0 : i32
      %lt3A_366 = vector.broadcast %lt3A_365 : i32 to vector<16xi32>
      %lt3A_367 = arith.cmpi slt, %xor3A_295, %lt3A_366 : vector<16xi32>
      %add3A_368 = arith.constant 16 : i32
      %add3A_369 = vector.broadcast %add3A_368 : i32 to vector<16xi32>
      %add3A_370 = arith.addi %xor3A_295, %add3A_369 : vector<16xi32>
      %select_n3A_371 = arith.select %lt3A_367, %add3A_370, %xor3A_295 : vector<16xi1>, vector<16xi32>
      %broadcast_in_dim3A_372 = vector.shape_cast %select_n3A_371 : vector<16xi32> to vector<16x1xi32>
      %gather3A_373 = vector.shape_cast %broadcast_in_dim3A_372 : vector<16x1xi32> to vector<16xi32>
      %gather3A_374 = tpu.dynamic_gather %add3A_260[%gather3A_373] in [0] : vector<16xf32>, vector<16xi32> -> vector<16xf32>
      %lt3A_375 = arith.constant 0 : i32
      %lt3A_376 = vector.broadcast %lt3A_375 : i32 to vector<16xi32>
      %lt3A_377 = arith.cmpi slt, %xor3A_295, %lt3A_376 : vector<16xi32>
      %add3A_378 = arith.constant 16 : i32
      %add3A_379 = vector.broadcast %add3A_378 : i32 to vector<16xi32>
      %add3A_380 = arith.addi %xor3A_295, %add3A_379 : vector<16xi32>
      %select_n3A_381 = arith.select %lt3A_377, %add3A_380, %xor3A_295 : vector<16xi1>, vector<16xi32>
      %broadcast_in_dim3A_382 = vector.shape_cast %select_n3A_381 : vector<16xi32> to vector<16x1xi32>
      %gather3A_383 = vector.shape_cast %broadcast_in_dim3A_382 : vector<16x1xi32> to vector<16xi32>
      %gather3A_384 = tpu.dynamic_gather %add3A_283[%gather3A_383] in [0] : vector<16xf32>, vector<16xi32> -> vector<16xf32>
      %select_n3A_385 = arith.select %eq3A_292, %add3A_260, %add3A_283 : vector<16xi1>, vector<16xf32>
      %select_n3A_386 = arith.select %eq3A_292, %gather3A_374, %gather3A_384 : vector<16xi1>, vector<16xf32>
      %add3A_387 = arith.addf %select_n3A_385, %select_n3A_386 : vector<16xf32>
      %shift_right_arithmetic3A_388 = arith.constant 2 : i32
      %shift_right_arithmetic3A_389 = vector.broadcast %shift_right_arithmetic3A_388 : i32 to vector<16xi32>
      %shift_right_arithmetic3A_390 = arith.shrsi %iota3A, %shift_right_arithmetic3A_389 : vector<16xi32>
      %and3A_391 = arith.constant 1 : i32
      %and3A_392 = vector.broadcast %and3A_391 : i32 to vector<16xi32>
      %and3A_393 = arith.andi %shift_right_arithmetic3A_390, %and3A_392 : vector<16xi32>
      %eq3A_394 = arith.constant 0 : i32
      %eq3A_395 = vector.broadcast %eq3A_394 : i32 to vector<16xi32>
      %eq3A_396 = arith.cmpi eq, %and3A_393, %eq3A_395 : vector<16xi32>
      %xor3A_397 = arith.constant 4 : i32
      %xor3A_398 = vector.broadcast %xor3A_397 : i32 to vector<16xi32>
      %xor3A_399 = arith.xori %iota3A, %xor3A_398 : vector<16xi32>
      %lt3A_400 = arith.constant 0 : i32
      %lt3A_401 = vector.broadcast %lt3A_400 : i32 to vector<16xi32>
      %lt3A_402 = arith.cmpi slt, %xor3A_399, %lt3A_401 : vector<16xi32>
      %add3A_403 = arith.constant 16 : i32
      %add3A_404 = vector.broadcast %add3A_403 : i32 to vector<16xi32>
      %add3A_405 = arith.addi %xor3A_399, %add3A_404 : vector<16xi32>
      %select_n3A_406 = arith.select %lt3A_402, %add3A_405, %xor3A_399 : vector<16xi1>, vector<16xi32>
      %broadcast_in_dim3A_407 = vector.shape_cast %select_n3A_406 : vector<16xi32> to vector<16x1xi32>
      %gather3A_408 = vector.shape_cast %broadcast_in_dim3A_407 : vector<16x1xi32> to vector<16xi32>
      %gather3A_409 = tpu.dynamic_gather %add3A_318[%gather3A_408] in [0] : vector<16xf32>, vector<16xi32> -> vector<16xf32>
      %lt3A_410 = arith.constant 0 : i32
      %lt3A_411 = vector.broadcast %lt3A_410 : i32 to vector<16xi32>
      %lt3A_412 = arith.cmpi slt, %xor3A_399, %lt3A_411 : vector<16xi32>
      %add3A_413 = arith.constant 16 : i32
      %add3A_414 = vector.broadcast %add3A_413 : i32 to vector<16xi32>
      %add3A_415 = arith.addi %xor3A_399, %add3A_414 : vector<16xi32>
      %select_n3A_416 = arith.select %lt3A_412, %add3A_415, %xor3A_399 : vector<16xi1>, vector<16xi32>
      %broadcast_in_dim3A_417 = vector.shape_cast %select_n3A_416 : vector<16xi32> to vector<16x1xi32>
      %gather3A_418 = vector.shape_cast %broadcast_in_dim3A_417 : vector<16x1xi32> to vector<16xi32>
      %gather3A_419 = tpu.dynamic_gather %add3A_341[%gather3A_418] in [0] : vector<16xf32>, vector<16xi32> -> vector<16xf32>
      %select_n3A_420 = arith.select %eq3A_396, %add3A_318, %add3A_341 : vector<16xi1>, vector<16xf32>
      %select_n3A_421 = arith.select %eq3A_396, %gather3A_409, %gather3A_419 : vector<16xi1>, vector<16xf32>
      %add3A_422 = arith.addf %select_n3A_420, %select_n3A_421 : vector<16xf32>
      %lt3A_423 = arith.constant 0 : i32
      %lt3A_424 = vector.broadcast %lt3A_423 : i32 to vector<16xi32>
      %lt3A_425 = arith.cmpi slt, %xor3A_399, %lt3A_424 : vector<16xi32>
      %add3A_426 = arith.constant 16 : i32
      %add3A_427 = vector.broadcast %add3A_426 : i32 to vector<16xi32>
      %add3A_428 = arith.addi %xor3A_399, %add3A_427 : vector<16xi32>
      %select_n3A_429 = arith.select %lt3A_425, %add3A_428, %xor3A_399 : vector<16xi1>, vector<16xi32>
      %broadcast_in_dim3A_430 = vector.shape_cast %select_n3A_429 : vector<16xi32> to vector<16x1xi32>
      %gather3A_431 = vector.shape_cast %broadcast_in_dim3A_430 : vector<16x1xi32> to vector<16xi32>
      %gather3A_432 = tpu.dynamic_gather %add3A_364[%gather3A_431] in [0] : vector<16xf32>, vector<16xi32> -> vector<16xf32>
      %lt3A_433 = arith.constant 0 : i32
      %lt3A_434 = vector.broadcast %lt3A_433 : i32 to vector<16xi32>
      %lt3A_435 = arith.cmpi slt, %xor3A_399, %lt3A_434 : vector<16xi32>
      %add3A_436 = arith.constant 16 : i32
      %add3A_437 = vector.broadcast %add3A_436 : i32 to vector<16xi32>
      %add3A_438 = arith.addi %xor3A_399, %add3A_437 : vector<16xi32>
      %select_n3A_439 = arith.select %lt3A_435, %add3A_438, %xor3A_399 : vector<16xi1>, vector<16xi32>
      %broadcast_in_dim3A_440 = vector.shape_cast %select_n3A_439 : vector<16xi32> to vector<16x1xi32>
      %gather3A_441 = vector.shape_cast %broadcast_in_dim3A_440 : vector<16x1xi32> to vector<16xi32>
      %gather3A_442 = tpu.dynamic_gather %add3A_387[%gather3A_441] in [0] : vector<16xf32>, vector<16xi32> -> vector<16xf32>
      %select_n3A_443 = arith.select %eq3A_396, %add3A_364, %add3A_387 : vector<16xi1>, vector<16xf32>
      %select_n3A_444 = arith.select %eq3A_396, %gather3A_432, %gather3A_442 : vector<16xi1>, vector<16xf32>
      %add3A_445 = arith.addf %select_n3A_443, %select_n3A_444 : vector<16xf32>
      %shift_right_arithmetic3A_446 = arith.constant 3 : i32
      %shift_right_arithmetic3A_447 = vector.broadcast %shift_right_arithmetic3A_446 : i32 to vector<16xi32>
      %shift_right_arithmetic3A_448 = arith.shrsi %iota3A, %shift_right_arithmetic3A_447 : vector<16xi32>
      %and3A_449 = arith.constant 1 : i32
      %and3A_450 = vector.broadcast %and3A_449 : i32 to vector<16xi32>
      %and3A_451 = arith.andi %shift_right_arithmetic3A_448, %and3A_450 : vector<16xi32>
      %eq3A_452 = arith.constant 0 : i32
      %eq3A_453 = vector.broadcast %eq3A_452 : i32 to vector<16xi32>
      %eq3A_454 = arith.cmpi eq, %and3A_451, %eq3A_453 : vector<16xi32>
      %xor3A_455 = arith.constant 8 : i32
      %xor3A_456 = vector.broadcast %xor3A_455 : i32 to vector<16xi32>
      %xor3A_457 = arith.xori %iota3A, %xor3A_456 : vector<16xi32>
      %lt3A_458 = arith.constant 0 : i32
      %lt3A_459 = vector.broadcast %lt3A_458 : i32 to vector<16xi32>
      %lt3A_460 = arith.cmpi slt, %xor3A_457, %lt3A_459 : vector<16xi32>
      %add3A_461 = arith.constant 16 : i32
      %add3A_462 = vector.broadcast %add3A_461 : i32 to vector<16xi32>
      %add3A_463 = arith.addi %xor3A_457, %add3A_462 : vector<16xi32>
      %select_n3A_464 = arith.select %lt3A_460, %add3A_463, %xor3A_457 : vector<16xi1>, vector<16xi32>
      %broadcast_in_dim3A_465 = vector.shape_cast %select_n3A_464 : vector<16xi32> to vector<16x1xi32>
      %gather3A_466 = vector.shape_cast %broadcast_in_dim3A_465 : vector<16x1xi32> to vector<16xi32>
      %gather3A_467 = tpu.dynamic_gather %add3A_422[%gather3A_466] in [0] : vector<16xf32>, vector<16xi32> -> vector<16xf32>
      %lt3A_468 = arith.constant 0 : i32
      %lt3A_469 = vector.broadcast %lt3A_468 : i32 to vector<16xi32>
      %lt3A_470 = arith.cmpi slt, %xor3A_457, %lt3A_469 : vector<16xi32>
      %add3A_471 = arith.constant 16 : i32
      %add3A_472 = vector.broadcast %add3A_471 : i32 to vector<16xi32>
      %add3A_473 = arith.addi %xor3A_457, %add3A_472 : vector<16xi32>
      %select_n3A_474 = arith.select %lt3A_470, %add3A_473, %xor3A_457 : vector<16xi1>, vector<16xi32>
      %broadcast_in_dim3A_475 = vector.shape_cast %select_n3A_474 : vector<16xi32> to vector<16x1xi32>
      %gather3A_476 = vector.shape_cast %broadcast_in_dim3A_475 : vector<16x1xi32> to vector<16xi32>
      %gather3A_477 = tpu.dynamic_gather %add3A_445[%gather3A_476] in [0] : vector<16xf32>, vector<16xi32> -> vector<16xf32>
      %select_n3A_478 = arith.select %eq3A_454, %add3A_422, %add3A_445 : vector<16xi1>, vector<16xf32>
      %select_n3A_479 = arith.select %eq3A_454, %gather3A_467, %gather3A_477 : vector<16xi1>, vector<16xf32>
      %add3A_480 = arith.addf %select_n3A_478, %select_n3A_479 : vector<16xf32>
      %mul3A_481 = arith.constant 4.8828125E-4 : f32
      %mul3A_482 = vector.broadcast %mul3A_481 : f32 to vector<16xf32>
      %mul3A_483 = arith.mulf %add3A_480, %mul3A_482 : vector<16xf32>
      %add3A_484 = arith.constant 9.99999997E-7 : f32
      %add3A_485 = vector.broadcast %add3A_484 : f32 to vector<16xf32>
      %add3A_486 = arith.addf %mul3A_483, %add3A_485 : vector<16xf32>
      %bitcast_convert_type3A = tpu.bitcast %add3A_486 : vector<16xf32> -> vector<16xi32>
      %broadcast_in_dim3A_487 = arith.constant 1597463007 : i32
      %broadcast_in_dim3A_488 = vector.broadcast %broadcast_in_dim3A_487 : i32 to vector<16xi32>
      %shift_right_logical3A = arith.constant 1 : i32
      %shift_right_logical3A_489 = vector.broadcast %shift_right_logical3A : i32 to vector<16xi32>
      %shift_right_logical3A_490 = arith.shrui %bitcast_convert_type3A, %shift_right_logical3A_489 : vector<16xi32>
      %sub3A = arith.subi %broadcast_in_dim3A_488, %shift_right_logical3A_490 : vector<16xi32>
      %bitcast_convert_type3A_491 = tpu.bitcast %sub3A : vector<16xi32> -> vector<16xf32>
      %mul3A_492 = arith.constant 5.000000e-01 : f32
      %mul3A_493 = vector.broadcast %mul3A_492 : f32 to vector<16xf32>
      %mul3A_494 = arith.mulf %mul3A_493, %add3A_486 : vector<16xf32>
      %mul3A_495 = arith.mulf %bitcast_convert_type3A_491, %bitcast_convert_type3A_491 : vector<16xf32>
      %mul3A_496 = arith.mulf %mul3A_494, %mul3A_495 : vector<16xf32>
      %sub3A_497 = arith.constant 1.500000e+00 : f32
      %sub3A_498 = vector.broadcast %sub3A_497 : f32 to vector<16xf32>
      %sub3A_499 = arith.subf %sub3A_498, %mul3A_496 : vector<16xf32>
      %mul3A_500 = arith.mulf %bitcast_convert_type3A_491, %sub3A_499 : vector<16xf32>
      %mul3A_501 = arith.constant 5.000000e-01 : f32
      %mul3A_502 = vector.broadcast %mul3A_501 : f32 to vector<16xf32>
      %mul3A_503 = arith.mulf %mul3A_502, %add3A_486 : vector<16xf32>
      %mul3A_504 = arith.mulf %mul3A_500, %mul3A_500 : vector<16xf32>
      %mul3A_505 = arith.mulf %mul3A_503, %mul3A_504 : vector<16xf32>
      %sub3A_506 = arith.constant 1.500000e+00 : f32
      %sub3A_507 = vector.broadcast %sub3A_506 : f32 to vector<16xf32>
      %sub3A_508 = arith.subf %sub3A_507, %mul3A_505 : vector<16xf32>
      %mul3A_509 = arith.mulf %mul3A_500, %sub3A_508 : vector<16xf32>
      %mul3A_510 = arith.constant 5.000000e-01 : f32
      %mul3A_511 = vector.broadcast %mul3A_510 : f32 to vector<16xf32>
      %mul3A_512 = arith.mulf %mul3A_511, %add3A_486 : vector<16xf32>
      %mul3A_513 = arith.mulf %mul3A_509, %mul3A_509 : vector<16xf32>
      %mul3A_514 = arith.mulf %mul3A_512, %mul3A_513 : vector<16xf32>
      %sub3A_515 = arith.constant 1.500000e+00 : f32
      %sub3A_516 = vector.broadcast %sub3A_515 : f32 to vector<16xf32>
      %sub3A_517 = arith.subf %sub3A_516, %mul3A_514 : vector<16xf32>
      %mul3A_518 = arith.mulf %mul3A_509, %sub3A_517 : vector<16xf32>
      %mul3A_519 = arith.constant 5.000000e-01 : f32
      %mul3A_520 = vector.broadcast %mul3A_519 : f32 to vector<16xf32>
      %mul3A_521 = arith.mulf %mul3A_520, %add3A_486 : vector<16xf32>
      %mul3A_522 = arith.mulf %mul3A_518, %mul3A_518 : vector<16xf32>
      %mul3A_523 = arith.mulf %mul3A_521, %mul3A_522 : vector<16xf32>
      %sub3A_524 = arith.constant 1.500000e+00 : f32
      %sub3A_525 = vector.broadcast %sub3A_524 : f32 to vector<16xf32>
      %sub3A_526 = arith.subf %sub3A_525, %mul3A_523 : vector<16xf32>
      %mul3A_527 = arith.mulf %mul3A_518, %sub3A_526 : vector<16xf32>
      %broadcast_in_dim3A_528 = arith.constant 0 : i32
      %broadcast_in_dim3A_529 = vector.broadcast %broadcast_in_dim3A_528 : i32 to vector<16xi32>
      %lt3A_530 = arith.constant 0 : i32
      %lt3A_531 = vector.broadcast %lt3A_530 : i32 to vector<16xi32>
      %lt3A_532 = arith.cmpi slt, %broadcast_in_dim3A_529, %lt3A_531 : vector<16xi32>
      %add3A_533 = arith.constant 16 : i32
      %add3A_534 = vector.broadcast %add3A_533 : i32 to vector<16xi32>
      %add3A_535 = arith.addi %broadcast_in_dim3A_529, %add3A_534 : vector<16xi32>
      %select_n3A_536 = arith.select %lt3A_532, %add3A_535, %broadcast_in_dim3A_529 : vector<16xi1>, vector<16xi32>
      %broadcast_in_dim3A_537 = vector.shape_cast %select_n3A_536 : vector<16xi32> to vector<16x1xi32>
      %gather3A_538 = vector.shape_cast %broadcast_in_dim3A_537 : vector<16x1xi32> to vector<16xi32>
      %gather3A_539 = tpu.dynamic_gather %mul3A_527[%gather3A_538] in [0] : vector<16xf32>, vector<16xi32> -> vector<16xf32>
      %broadcast_in_dim3A_540 = arith.constant 1 : i32
      %broadcast_in_dim3A_541 = vector.broadcast %broadcast_in_dim3A_540 : i32 to vector<16xi32>
      %lt3A_542 = arith.constant 0 : i32
      %lt3A_543 = vector.broadcast %lt3A_542 : i32 to vector<16xi32>
      %lt3A_544 = arith.cmpi slt, %broadcast_in_dim3A_541, %lt3A_543 : vector<16xi32>
      %add3A_545 = arith.constant 16 : i32
      %add3A_546 = vector.broadcast %add3A_545 : i32 to vector<16xi32>
      %add3A_547 = arith.addi %broadcast_in_dim3A_541, %add3A_546 : vector<16xi32>
      %select_n3A_548 = arith.select %lt3A_544, %add3A_547, %broadcast_in_dim3A_541 : vector<16xi1>, vector<16xi32>
      %broadcast_in_dim3A_549 = vector.shape_cast %select_n3A_548 : vector<16xi32> to vector<16x1xi32>
      %gather3A_550 = vector.shape_cast %broadcast_in_dim3A_549 : vector<16x1xi32> to vector<16xi32>
      %gather3A_551 = tpu.dynamic_gather %mul3A_527[%gather3A_550] in [0] : vector<16xf32>, vector<16xi32> -> vector<16xf32>
      %broadcast_in_dim3A_552 = arith.constant 2 : i32
      %broadcast_in_dim3A_553 = vector.broadcast %broadcast_in_dim3A_552 : i32 to vector<16xi32>
      %lt3A_554 = arith.constant 0 : i32
      %lt3A_555 = vector.broadcast %lt3A_554 : i32 to vector<16xi32>
      %lt3A_556 = arith.cmpi slt, %broadcast_in_dim3A_553, %lt3A_555 : vector<16xi32>
      %add3A_557 = arith.constant 16 : i32
      %add3A_558 = vector.broadcast %add3A_557 : i32 to vector<16xi32>
      %add3A_559 = arith.addi %broadcast_in_dim3A_553, %add3A_558 : vector<16xi32>
      %select_n3A_560 = arith.select %lt3A_556, %add3A_559, %broadcast_in_dim3A_553 : vector<16xi1>, vector<16xi32>
      %broadcast_in_dim3A_561 = vector.shape_cast %select_n3A_560 : vector<16xi32> to vector<16x1xi32>
      %gather3A_562 = vector.shape_cast %broadcast_in_dim3A_561 : vector<16x1xi32> to vector<16xi32>
      %gather3A_563 = tpu.dynamic_gather %mul3A_527[%gather3A_562] in [0] : vector<16xf32>, vector<16xi32> -> vector<16xf32>
      %broadcast_in_dim3A_564 = arith.constant 3 : i32
      %broadcast_in_dim3A_565 = vector.broadcast %broadcast_in_dim3A_564 : i32 to vector<16xi32>
      %lt3A_566 = arith.constant 0 : i32
      %lt3A_567 = vector.broadcast %lt3A_566 : i32 to vector<16xi32>
      %lt3A_568 = arith.cmpi slt, %broadcast_in_dim3A_565, %lt3A_567 : vector<16xi32>
      %add3A_569 = arith.constant 16 : i32
      %add3A_570 = vector.broadcast %add3A_569 : i32 to vector<16xi32>
      %add3A_571 = arith.addi %broadcast_in_dim3A_565, %add3A_570 : vector<16xi32>
      %select_n3A_572 = arith.select %lt3A_568, %add3A_571, %broadcast_in_dim3A_565 : vector<16xi1>, vector<16xi32>
      %broadcast_in_dim3A_573 = vector.shape_cast %select_n3A_572 : vector<16xi32> to vector<16x1xi32>
      %gather3A_574 = vector.shape_cast %broadcast_in_dim3A_573 : vector<16x1xi32> to vector<16xi32>
      %gather3A_575 = tpu.dynamic_gather %mul3A_527[%gather3A_574] in [0] : vector<16xf32>, vector<16xi32> -> vector<16xf32>
      %broadcast_in_dim3A_576 = arith.constant 4 : i32
      %broadcast_in_dim3A_577 = vector.broadcast %broadcast_in_dim3A_576 : i32 to vector<16xi32>
      %lt3A_578 = arith.constant 0 : i32
      %lt3A_579 = vector.broadcast %lt3A_578 : i32 to vector<16xi32>
      %lt3A_580 = arith.cmpi slt, %broadcast_in_dim3A_577, %lt3A_579 : vector<16xi32>
      %add3A_581 = arith.constant 16 : i32
      %add3A_582 = vector.broadcast %add3A_581 : i32 to vector<16xi32>
      %add3A_583 = arith.addi %broadcast_in_dim3A_577, %add3A_582 : vector<16xi32>
      %select_n3A_584 = arith.select %lt3A_580, %add3A_583, %broadcast_in_dim3A_577 : vector<16xi1>, vector<16xi32>
      %broadcast_in_dim3A_585 = vector.shape_cast %select_n3A_584 : vector<16xi32> to vector<16x1xi32>
      %gather3A_586 = vector.shape_cast %broadcast_in_dim3A_585 : vector<16x1xi32> to vector<16xi32>
      %gather3A_587 = tpu.dynamic_gather %mul3A_527[%gather3A_586] in [0] : vector<16xf32>, vector<16xi32> -> vector<16xf32>
      %broadcast_in_dim3A_588 = arith.constant 5 : i32
      %broadcast_in_dim3A_589 = vector.broadcast %broadcast_in_dim3A_588 : i32 to vector<16xi32>
      %lt3A_590 = arith.constant 0 : i32
      %lt3A_591 = vector.broadcast %lt3A_590 : i32 to vector<16xi32>
      %lt3A_592 = arith.cmpi slt, %broadcast_in_dim3A_589, %lt3A_591 : vector<16xi32>
      %add3A_593 = arith.constant 16 : i32
      %add3A_594 = vector.broadcast %add3A_593 : i32 to vector<16xi32>
      %add3A_595 = arith.addi %broadcast_in_dim3A_589, %add3A_594 : vector<16xi32>
      %select_n3A_596 = arith.select %lt3A_592, %add3A_595, %broadcast_in_dim3A_589 : vector<16xi1>, vector<16xi32>
      %broadcast_in_dim3A_597 = vector.shape_cast %select_n3A_596 : vector<16xi32> to vector<16x1xi32>
      %gather3A_598 = vector.shape_cast %broadcast_in_dim3A_597 : vector<16x1xi32> to vector<16xi32>
      %gather3A_599 = tpu.dynamic_gather %mul3A_527[%gather3A_598] in [0] : vector<16xf32>, vector<16xi32> -> vector<16xf32>
      %broadcast_in_dim3A_600 = arith.constant 6 : i32
      %broadcast_in_dim3A_601 = vector.broadcast %broadcast_in_dim3A_600 : i32 to vector<16xi32>
      %lt3A_602 = arith.constant 0 : i32
      %lt3A_603 = vector.broadcast %lt3A_602 : i32 to vector<16xi32>
      %lt3A_604 = arith.cmpi slt, %broadcast_in_dim3A_601, %lt3A_603 : vector<16xi32>
      %add3A_605 = arith.constant 16 : i32
      %add3A_606 = vector.broadcast %add3A_605 : i32 to vector<16xi32>
      %add3A_607 = arith.addi %broadcast_in_dim3A_601, %add3A_606 : vector<16xi32>
      %select_n3A_608 = arith.select %lt3A_604, %add3A_607, %broadcast_in_dim3A_601 : vector<16xi1>, vector<16xi32>
      %broadcast_in_dim3A_609 = vector.shape_cast %select_n3A_608 : vector<16xi32> to vector<16x1xi32>
      %gather3A_610 = vector.shape_cast %broadcast_in_dim3A_609 : vector<16x1xi32> to vector<16xi32>
      %gather3A_611 = tpu.dynamic_gather %mul3A_527[%gather3A_610] in [0] : vector<16xf32>, vector<16xi32> -> vector<16xf32>
      %broadcast_in_dim3A_612 = arith.constant 7 : i32
      %broadcast_in_dim3A_613 = vector.broadcast %broadcast_in_dim3A_612 : i32 to vector<16xi32>
      %lt3A_614 = arith.constant 0 : i32
      %lt3A_615 = vector.broadcast %lt3A_614 : i32 to vector<16xi32>
      %lt3A_616 = arith.cmpi slt, %broadcast_in_dim3A_613, %lt3A_615 : vector<16xi32>
      %add3A_617 = arith.constant 16 : i32
      %add3A_618 = vector.broadcast %add3A_617 : i32 to vector<16xi32>
      %add3A_619 = arith.addi %broadcast_in_dim3A_613, %add3A_618 : vector<16xi32>
      %select_n3A_620 = arith.select %lt3A_616, %add3A_619, %broadcast_in_dim3A_613 : vector<16xi1>, vector<16xi32>
      %broadcast_in_dim3A_621 = vector.shape_cast %select_n3A_620 : vector<16xi32> to vector<16x1xi32>
      %gather3A_622 = vector.shape_cast %broadcast_in_dim3A_621 : vector<16x1xi32> to vector<16xi32>
      %gather3A_623 = tpu.dynamic_gather %mul3A_527[%gather3A_622] in [0] : vector<16xf32>, vector<16xi32> -> vector<16xf32>
      %broadcast_in_dim3A_624 = arith.constant 8 : i32
      %broadcast_in_dim3A_625 = vector.broadcast %broadcast_in_dim3A_624 : i32 to vector<16xi32>
      %lt3A_626 = arith.constant 0 : i32
      %lt3A_627 = vector.broadcast %lt3A_626 : i32 to vector<16xi32>
      %lt3A_628 = arith.cmpi slt, %broadcast_in_dim3A_625, %lt3A_627 : vector<16xi32>
      %add3A_629 = arith.constant 16 : i32
      %add3A_630 = vector.broadcast %add3A_629 : i32 to vector<16xi32>
      %add3A_631 = arith.addi %broadcast_in_dim3A_625, %add3A_630 : vector<16xi32>
      %select_n3A_632 = arith.select %lt3A_628, %add3A_631, %broadcast_in_dim3A_625 : vector<16xi1>, vector<16xi32>
      %broadcast_in_dim3A_633 = vector.shape_cast %select_n3A_632 : vector<16xi32> to vector<16x1xi32>
      %gather3A_634 = vector.shape_cast %broadcast_in_dim3A_633 : vector<16x1xi32> to vector<16xi32>
      %gather3A_635 = tpu.dynamic_gather %mul3A_527[%gather3A_634] in [0] : vector<16xf32>, vector<16xi32> -> vector<16xf32>
      %broadcast_in_dim3A_636 = arith.constant 9 : i32
      %broadcast_in_dim3A_637 = vector.broadcast %broadcast_in_dim3A_636 : i32 to vector<16xi32>
      %lt3A_638 = arith.constant 0 : i32
      %lt3A_639 = vector.broadcast %lt3A_638 : i32 to vector<16xi32>
      %lt3A_640 = arith.cmpi slt, %broadcast_in_dim3A_637, %lt3A_639 : vector<16xi32>
      %add3A_641 = arith.constant 16 : i32
      %add3A_642 = vector.broadcast %add3A_641 : i32 to vector<16xi32>
      %add3A_643 = arith.addi %broadcast_in_dim3A_637, %add3A_642 : vector<16xi32>
      %select_n3A_644 = arith.select %lt3A_640, %add3A_643, %broadcast_in_dim3A_637 : vector<16xi1>, vector<16xi32>
      %broadcast_in_dim3A_645 = vector.shape_cast %select_n3A_644 : vector<16xi32> to vector<16x1xi32>
      %gather3A_646 = vector.shape_cast %broadcast_in_dim3A_645 : vector<16x1xi32> to vector<16xi32>
      %gather3A_647 = tpu.dynamic_gather %mul3A_527[%gather3A_646] in [0] : vector<16xf32>, vector<16xi32> -> vector<16xf32>
      %broadcast_in_dim3A_648 = arith.constant 10 : i32
      %broadcast_in_dim3A_649 = vector.broadcast %broadcast_in_dim3A_648 : i32 to vector<16xi32>
      %lt3A_650 = arith.constant 0 : i32
      %lt3A_651 = vector.broadcast %lt3A_650 : i32 to vector<16xi32>
      %lt3A_652 = arith.cmpi slt, %broadcast_in_dim3A_649, %lt3A_651 : vector<16xi32>
      %add3A_653 = arith.constant 16 : i32
      %add3A_654 = vector.broadcast %add3A_653 : i32 to vector<16xi32>
      %add3A_655 = arith.addi %broadcast_in_dim3A_649, %add3A_654 : vector<16xi32>
      %select_n3A_656 = arith.select %lt3A_652, %add3A_655, %broadcast_in_dim3A_649 : vector<16xi1>, vector<16xi32>
      %broadcast_in_dim3A_657 = vector.shape_cast %select_n3A_656 : vector<16xi32> to vector<16x1xi32>
      %gather3A_658 = vector.shape_cast %broadcast_in_dim3A_657 : vector<16x1xi32> to vector<16xi32>
      %gather3A_659 = tpu.dynamic_gather %mul3A_527[%gather3A_658] in [0] : vector<16xf32>, vector<16xi32> -> vector<16xf32>
      %broadcast_in_dim3A_660 = arith.constant 11 : i32
      %broadcast_in_dim3A_661 = vector.broadcast %broadcast_in_dim3A_660 : i32 to vector<16xi32>
      %lt3A_662 = arith.constant 0 : i32
      %lt3A_663 = vector.broadcast %lt3A_662 : i32 to vector<16xi32>
      %lt3A_664 = arith.cmpi slt, %broadcast_in_dim3A_661, %lt3A_663 : vector<16xi32>
      %add3A_665 = arith.constant 16 : i32
      %add3A_666 = vector.broadcast %add3A_665 : i32 to vector<16xi32>
      %add3A_667 = arith.addi %broadcast_in_dim3A_661, %add3A_666 : vector<16xi32>
      %select_n3A_668 = arith.select %lt3A_664, %add3A_667, %broadcast_in_dim3A_661 : vector<16xi1>, vector<16xi32>
      %broadcast_in_dim3A_669 = vector.shape_cast %select_n3A_668 : vector<16xi32> to vector<16x1xi32>
      %gather3A_670 = vector.shape_cast %broadcast_in_dim3A_669 : vector<16x1xi32> to vector<16xi32>
      %gather3A_671 = tpu.dynamic_gather %mul3A_527[%gather3A_670] in [0] : vector<16xf32>, vector<16xi32> -> vector<16xf32>
      %broadcast_in_dim3A_672 = arith.constant 12 : i32
      %broadcast_in_dim3A_673 = vector.broadcast %broadcast_in_dim3A_672 : i32 to vector<16xi32>
      %lt3A_674 = arith.constant 0 : i32
      %lt3A_675 = vector.broadcast %lt3A_674 : i32 to vector<16xi32>
      %lt3A_676 = arith.cmpi slt, %broadcast_in_dim3A_673, %lt3A_675 : vector<16xi32>
      %add3A_677 = arith.constant 16 : i32
      %add3A_678 = vector.broadcast %add3A_677 : i32 to vector<16xi32>
      %add3A_679 = arith.addi %broadcast_in_dim3A_673, %add3A_678 : vector<16xi32>
      %select_n3A_680 = arith.select %lt3A_676, %add3A_679, %broadcast_in_dim3A_673 : vector<16xi1>, vector<16xi32>
      %broadcast_in_dim3A_681 = vector.shape_cast %select_n3A_680 : vector<16xi32> to vector<16x1xi32>
      %gather3A_682 = vector.shape_cast %broadcast_in_dim3A_681 : vector<16x1xi32> to vector<16xi32>
      %gather3A_683 = tpu.dynamic_gather %mul3A_527[%gather3A_682] in [0] : vector<16xf32>, vector<16xi32> -> vector<16xf32>
      %broadcast_in_dim3A_684 = arith.constant 13 : i32
      %broadcast_in_dim3A_685 = vector.broadcast %broadcast_in_dim3A_684 : i32 to vector<16xi32>
      %lt3A_686 = arith.constant 0 : i32
      %lt3A_687 = vector.broadcast %lt3A_686 : i32 to vector<16xi32>
      %lt3A_688 = arith.cmpi slt, %broadcast_in_dim3A_685, %lt3A_687 : vector<16xi32>
      %add3A_689 = arith.constant 16 : i32
      %add3A_690 = vector.broadcast %add3A_689 : i32 to vector<16xi32>
      %add3A_691 = arith.addi %broadcast_in_dim3A_685, %add3A_690 : vector<16xi32>
      %select_n3A_692 = arith.select %lt3A_688, %add3A_691, %broadcast_in_dim3A_685 : vector<16xi1>, vector<16xi32>
      %broadcast_in_dim3A_693 = vector.shape_cast %select_n3A_692 : vector<16xi32> to vector<16x1xi32>
      %gather3A_694 = vector.shape_cast %broadcast_in_dim3A_693 : vector<16x1xi32> to vector<16xi32>
      %gather3A_695 = tpu.dynamic_gather %mul3A_527[%gather3A_694] in [0] : vector<16xf32>, vector<16xi32> -> vector<16xf32>
      %broadcast_in_dim3A_696 = arith.constant 14 : i32
      %broadcast_in_dim3A_697 = vector.broadcast %broadcast_in_dim3A_696 : i32 to vector<16xi32>
      %lt3A_698 = arith.constant 0 : i32
      %lt3A_699 = vector.broadcast %lt3A_698 : i32 to vector<16xi32>
      %lt3A_700 = arith.cmpi slt, %broadcast_in_dim3A_697, %lt3A_699 : vector<16xi32>
      %add3A_701 = arith.constant 16 : i32
      %add3A_702 = vector.broadcast %add3A_701 : i32 to vector<16xi32>
      %add3A_703 = arith.addi %broadcast_in_dim3A_697, %add3A_702 : vector<16xi32>
      %select_n3A_704 = arith.select %lt3A_700, %add3A_703, %broadcast_in_dim3A_697 : vector<16xi1>, vector<16xi32>
      %broadcast_in_dim3A_705 = vector.shape_cast %select_n3A_704 : vector<16xi32> to vector<16x1xi32>
      %gather3A_706 = vector.shape_cast %broadcast_in_dim3A_705 : vector<16x1xi32> to vector<16xi32>
      %gather3A_707 = tpu.dynamic_gather %mul3A_527[%gather3A_706] in [0] : vector<16xf32>, vector<16xi32> -> vector<16xf32>
      %broadcast_in_dim3A_708 = arith.constant 15 : i32
      %broadcast_in_dim3A_709 = vector.broadcast %broadcast_in_dim3A_708 : i32 to vector<16xi32>
      %lt3A_710 = arith.constant 0 : i32
      %lt3A_711 = vector.broadcast %lt3A_710 : i32 to vector<16xi32>
      %lt3A_712 = arith.cmpi slt, %broadcast_in_dim3A_709, %lt3A_711 : vector<16xi32>
      %add3A_713 = arith.constant 16 : i32
      %add3A_714 = vector.broadcast %add3A_713 : i32 to vector<16xi32>
      %add3A_715 = arith.addi %broadcast_in_dim3A_709, %add3A_714 : vector<16xi32>
      %select_n3A_716 = arith.select %lt3A_712, %add3A_715, %broadcast_in_dim3A_709 : vector<16xi1>, vector<16xi32>
      %broadcast_in_dim3A_717 = vector.shape_cast %select_n3A_716 : vector<16xi32> to vector<16x1xi32>
      %gather3A_718 = vector.shape_cast %broadcast_in_dim3A_717 : vector<16x1xi32> to vector<16xi32>
      %gather3A_719 = tpu.dynamic_gather %mul3A_527[%gather3A_718] in [0] : vector<16xf32>, vector<16xi32> -> vector<16xf32>
      %parallel_loop3A_720 = arith.constant 0 : i32
      %parallel_loop3A_721 = arith.constant 2048 : i32
      %parallel_loop3A_722 = arith.constant 16 : i32
      scf.for %parallel_loop3A_738 = %parallel_loop3A_720 to %parallel_loop3A_721 step %parallel_loop3A_722  : i32 {
        %parallel_loop3A_739 = arith.index_cast %parallel_loop3A_738 : i32 to index
        %parallel_loop3A_740 = tpu.vector_load %arg7[%parallel_loop3A_739] {strides = array<i32>} : memref<2048xf32, #tpu.memory_space<vmem>>, vector<16xf32>,
        %parallel_loop3A_741 = vector.shape_cast %parallel_loop3A_740 : vector<16xf32> to vector<16xf32>
        %parallel_loop3A_742 = arith.constant 0 : i32
        %parallel_loop3A_743 = arith.index_cast %rem3A_47 : i32 to index
        %parallel_loop3A_744 = arith.index_cast %parallel_loop3A_742 : i32 to index
        %parallel_loop3A_745 = arith.index_cast %parallel_loop3A_738 : i32 to index
        %parallel_loop3A_746 = tpu.vector_load %arg8[%parallel_loop3A_743, %parallel_loop3A_744, %parallel_loop3A_745] {strides = array<i32>} : memref<3x16x2048xf32, #tpu.memory_space<vmem>>, vector<1x1x16xf32>,
        %parallel_loop3A_747 = vector.shape_cast %parallel_loop3A_746 : vector<1x1x16xf32> to vector<16xf32>
        %parallel_loop3A_748 = arith.mulf %parallel_loop3A_747, %gather3A_539 : vector<16xf32>
        %parallel_loop3A_749 = arith.mulf %parallel_loop3A_748, %parallel_loop3A_741 : vector<16xf32>
        %parallel_loop3A_750 = arith.constant 0 : i32
        %parallel_loop3A_751 = arith.index_cast %rem3A_47 : i32 to index
        %parallel_loop3A_752 = arith.index_cast %parallel_loop3A_750 : i32 to index
        %parallel_loop3A_753 = arith.index_cast %parallel_loop3A_738 : i32 to index
        %parallel_loop3A_754 = tpu.vector_load %arg8[%parallel_loop3A_751, %parallel_loop3A_752, %parallel_loop3A_753] {strides = array<i32>} : memref<3x16x2048xf32, #tpu.memory_space<vmem>>, vector<1x1x16xf32>,
        %parallel_loop3A_755 = vector.shape_cast %parallel_loop3A_754 : vector<1x1x16xf32> to vector<16xf32>
        %parallel_loop3A_756 = vector.shape_cast %parallel_loop3A_749 : vector<16xf32> to vector<1x1x16xf32>
        tpu.vector_store %arg8[%parallel_loop3A_751, %parallel_loop3A_752, %parallel_loop3A_753], %parallel_loop3A_756 {strides = array<i32>} : memref<3x16x2048xf32, #tpu.memory_space<vmem>>, vector<1x1x16xf32>,
        %parallel_loop3A_757 = arith.constant 1 : i32
        %parallel_loop3A_758 = arith.index_cast %rem3A_47 : i32 to index
        %parallel_loop3A_759 = arith.index_cast %parallel_loop3A_757 : i32 to index
        %parallel_loop3A_760 = arith.index_cast %parallel_loop3A_738 : i32 to index
        %parallel_loop3A_761 = tpu.vector_load %arg8[%parallel_loop3A_758, %parallel_loop3A_759, %parallel_loop3A_760] {strides = array<i32>} : memref<3x16x2048xf32, #tpu.memory_space<vmem>>, vector<1x1x16xf32>,
        %parallel_loop3A_762 = vector.shape_cast %parallel_loop3A_761 : vector<1x1x16xf32> to vector<16xf32>
        %parallel_loop3A_763 = arith.mulf %parallel_loop3A_762, %gather3A_551 : vector<16xf32>
        %parallel_loop3A_764 = arith.mulf %parallel_loop3A_763, %parallel_loop3A_741 : vector<16xf32>
        %parallel_loop3A_765 = arith.constant 1 : i32
        %parallel_loop3A_766 = arith.index_cast %rem3A_47 : i32 to index
        %parallel_loop3A_767 = arith.index_cast %parallel_loop3A_765 : i32 to index
        %parallel_loop3A_768 = arith.index_cast %parallel_loop3A_738 : i32 to index
        %parallel_loop3A_769 = tpu.vector_load %arg8[%parallel_loop3A_766, %parallel_loop3A_767, %parallel_loop3A_768] {strides = array<i32>} : memref<3x16x2048xf32, #tpu.memory_space<vmem>>, vector<1x1x16xf32>,
        %parallel_loop3A_770 = vector.shape_cast %parallel_loop3A_769 : vector<1x1x16xf32> to vector<16xf32>
        %parallel_loop3A_771 = vector.shape_cast %parallel_loop3A_764 : vector<16xf32> to vector<1x1x16xf32>
        tpu.vector_store %arg8[%parallel_loop3A_766, %parallel_loop3A_767, %parallel_loop3A_768], %parallel_loop3A_771 {strides = array<i32>} : memref<3x16x2048xf32, #tpu.memory_space<vmem>>, vector<1x1x16xf32>,
        %parallel_loop3A_772 = arith.constant 2 : i32
        %parallel_loop3A_773 = arith.index_cast %rem3A_47 : i32 to index
        %parallel_loop3A_774 = arith.index_cast %parallel_loop3A_772 : i32 to index
        %parallel_loop3A_775 = arith.index_cast %parallel_loop3A_738 : i32 to index
        %parallel_loop3A_776 = tpu.vector_load %arg8[%parallel_loop3A_773, %parallel_loop3A_774, %parallel_loop3A_775] {strides = array<i32>} : memref<3x16x2048xf32, #tpu.memory_space<vmem>>, vector<1x1x16xf32>,
        %parallel_loop3A_777 = vector.shape_cast %parallel_loop3A_776 : vector<1x1x16xf32> to vector<16xf32>
        %parallel_loop3A_778 = arith.mulf %parallel_loop3A_777, %gather3A_563 : vector<16xf32>
        %parallel_loop3A_779 = arith.mulf %parallel_loop3A_778, %parallel_loop3A_741 : vector<16xf32>
        %parallel_loop3A_780 = arith.constant 2 : i32
        %parallel_loop3A_781 = arith.index_cast %rem3A_47 : i32 to index
        %parallel_loop3A_782 = arith.index_cast %parallel_loop3A_780 : i32 to index
        %parallel_loop3A_783 = arith.index_cast %parallel_loop3A_738 : i32 to index
        %parallel_loop3A_784 = tpu.vector_load %arg8[%parallel_loop3A_781, %parallel_loop3A_782, %parallel_loop3A_783] {strides = array<i32>} : memref<3x16x2048xf32, #tpu.memory_space<vmem>>, vector<1x1x16xf32>,
        %parallel_loop3A_785 = vector.shape_cast %parallel_loop3A_784 : vector<1x1x16xf32> to vector<16xf32>
        %parallel_loop3A_786 = vector.shape_cast %parallel_loop3A_779 : vector<16xf32> to vector<1x1x16xf32>
        tpu.vector_store %arg8[%parallel_loop3A_781, %parallel_loop3A_782, %parallel_loop3A_783], %parallel_loop3A_786 {strides = array<i32>} : memref<3x16x2048xf32, #tpu.memory_space<vmem>>, vector<1x1x16xf32>,
        %parallel_loop3A_787 = arith.constant 3 : i32
        %parallel_loop3A_788 = arith.index_cast %rem3A_47 : i32 to index
        %parallel_loop3A_789 = arith.index_cast %parallel_loop3A_787 : i32 to index
        %parallel_loop3A_790 = arith.index_cast %parallel_loop3A_738 : i32 to index
        %parallel_loop3A_791 = tpu.vector_load %arg8[%parallel_loop3A_788, %parallel_loop3A_789, %parallel_loop3A_790] {strides = array<i32>} : memref<3x16x2048xf32, #tpu.memory_space<vmem>>, vector<1x1x16xf32>,
        %parallel_loop3A_792 = vector.shape_cast %parallel_loop3A_791 : vector<1x1x16xf32> to vector<16xf32>
        %parallel_loop3A_793 = arith.mulf %parallel_loop3A_792, %gather3A_575 : vector<16xf32>
        %parallel_loop3A_794 = arith.mulf %parallel_loop3A_793, %parallel_loop3A_741 : vector<16xf32>
        %parallel_loop3A_795 = arith.constant 3 : i32
        %parallel_loop3A_796 = arith.index_cast %rem3A_47 : i32 to index
        %parallel_loop3A_797 = arith.index_cast %parallel_loop3A_795 : i32 to index
        %parallel_loop3A_798 = arith.index_cast %parallel_loop3A_738 : i32 to index
        %parallel_loop3A_799 = tpu.vector_load %arg8[%parallel_loop3A_796, %parallel_loop3A_797, %parallel_loop3A_798] {strides = array<i32>} : memref<3x16x2048xf32, #tpu.memory_space<vmem>>, vector<1x1x16xf32>,
        %parallel_loop3A_800 = vector.shape_cast %parallel_loop3A_799 : vector<1x1x16xf32> to vector<16xf32>
        %parallel_loop3A_801 = vector.shape_cast %parallel_loop3A_794 : vector<16xf32> to vector<1x1x16xf32>
        tpu.vector_store %arg8[%parallel_loop3A_796, %parallel_loop3A_797, %parallel_loop3A_798], %parallel_loop3A_801 {strides = array<i32>} : memref<3x16x2048xf32, #tpu.memory_space<vmem>>, vector<1x1x16xf32>,
        %parallel_loop3A_802 = arith.constant 4 : i32
        %parallel_loop3A_803 = arith.index_cast %rem3A_47 : i32 to index
        %parallel_loop3A_804 = arith.index_cast %parallel_loop3A_802 : i32 to index
        %parallel_loop3A_805 = arith.index_cast %parallel_loop3A_738 : i32 to index
        %parallel_loop3A_806 = tpu.vector_load %arg8[%parallel_loop3A_803, %parallel_loop3A_804, %parallel_loop3A_805] {strides = array<i32>} : memref<3x16x2048xf32, #tpu.memory_space<vmem>>, vector<1x1x16xf32>,
        %parallel_loop3A_807 = vector.shape_cast %parallel_loop3A_806 : vector<1x1x16xf32> to vector<16xf32>
        %parallel_loop3A_808 = arith.mulf %parallel_loop3A_807, %gather3A_587 : vector<16xf32>
        %parallel_loop3A_809 = arith.mulf %parallel_loop3A_808, %parallel_loop3A_741 : vector<16xf32>
        %parallel_loop3A_810 = arith.constant 4 : i32
        %parallel_loop3A_811 = arith.index_cast %rem3A_47 : i32 to index
        %parallel_loop3A_812 = arith.index_cast %parallel_loop3A_810 : i32 to index
        %parallel_loop3A_813 = arith.index_cast %parallel_loop3A_738 : i32 to index
        %parallel_loop3A_814 = tpu.vector_load %arg8[%parallel_loop3A_811, %parallel_loop3A_812, %parallel_loop3A_813] {strides = array<i32>} : memref<3x16x2048xf32, #tpu.memory_space<vmem>>, vector<1x1x16xf32>,
        %parallel_loop3A_815 = vector.shape_cast %parallel_loop3A_814 : vector<1x1x16xf32> to vector<16xf32>
        %parallel_loop3A_816 = vector.shape_cast %parallel_loop3A_809 : vector<16xf32> to vector<1x1x16xf32>
        tpu.vector_store %arg8[%parallel_loop3A_811, %parallel_loop3A_812, %parallel_loop3A_813], %parallel_loop3A_816 {strides = array<i32>} : memref<3x16x2048xf32, #tpu.memory_space<vmem>>, vector<1x1x16xf32>,
        %parallel_loop3A_817 = arith.constant 5 : i32
        %parallel_loop3A_818 = arith.index_cast %rem3A_47 : i32 to index
        %parallel_loop3A_819 = arith.index_cast %parallel_loop3A_817 : i32 to index
        %parallel_loop3A_820 = arith.index_cast %parallel_loop3A_738 : i32 to index
        %parallel_loop3A_821 = tpu.vector_load %arg8[%parallel_loop3A_818, %parallel_loop3A_819, %parallel_loop3A_820] {strides = array<i32>} : memref<3x16x2048xf32, #tpu.memory_space<vmem>>, vector<1x1x16xf32>,
        %parallel_loop3A_822 = vector.shape_cast %parallel_loop3A_821 : vector<1x1x16xf32> to vector<16xf32>
        %parallel_loop3A_823 = arith.mulf %parallel_loop3A_822, %gather3A_599 : vector<16xf32>
        %parallel_loop3A_824 = arith.mulf %parallel_loop3A_823, %parallel_loop3A_741 : vector<16xf32>
        %parallel_loop3A_825 = arith.constant 5 : i32
        %parallel_loop3A_826 = arith.index_cast %rem3A_47 : i32 to index
        %parallel_loop3A_827 = arith.index_cast %parallel_loop3A_825 : i32 to index
        %parallel_loop3A_828 = arith.index_cast %parallel_loop3A_738 : i32 to index
        %parallel_loop3A_829 = tpu.vector_load %arg8[%parallel_loop3A_826, %parallel_loop3A_827, %parallel_loop3A_828] {strides = array<i32>} : memref<3x16x2048xf32, #tpu.memory_space<vmem>>, vector<1x1x16xf32>,
        %parallel_loop3A_830 = vector.shape_cast %parallel_loop3A_829 : vector<1x1x16xf32> to vector<16xf32>
        %parallel_loop3A_831 = vector.shape_cast %parallel_loop3A_824 : vector<16xf32> to vector<1x1x16xf32>
        tpu.vector_store %arg8[%parallel_loop3A_826, %parallel_loop3A_827, %parallel_loop3A_828], %parallel_loop3A_831 {strides = array<i32>} : memref<3x16x2048xf32, #tpu.memory_space<vmem>>, vector<1x1x16xf32>,
        %parallel_loop3A_832 = arith.constant 6 : i32
        %parallel_loop3A_833 = arith.index_cast %rem3A_47 : i32 to index
        %parallel_loop3A_834 = arith.index_cast %parallel_loop3A_832 : i32 to index
        %parallel_loop3A_835 = arith.index_cast %parallel_loop3A_738 : i32 to index
        %parallel_loop3A_836 = tpu.vector_load %arg8[%parallel_loop3A_833, %parallel_loop3A_834, %parallel_loop3A_835] {strides = array<i32>} : memref<3x16x2048xf32, #tpu.memory_space<vmem>>, vector<1x1x16xf32>,
        %parallel_loop3A_837 = vector.shape_cast %parallel_loop3A_836 : vector<1x1x16xf32> to vector<16xf32>
        %parallel_loop3A_838 = arith.mulf %parallel_loop3A_837, %gather3A_611 : vector<16xf32>
        %parallel_loop3A_839 = arith.mulf %parallel_loop3A_838, %parallel_loop3A_741 : vector<16xf32>
        %parallel_loop3A_840 = arith.constant 6 : i32
        %parallel_loop3A_841 = arith.index_cast %rem3A_47 : i32 to index
        %parallel_loop3A_842 = arith.index_cast %parallel_loop3A_840 : i32 to index
        %parallel_loop3A_843 = arith.index_cast %parallel_loop3A_738 : i32 to index
        %parallel_loop3A_844 = tpu.vector_load %arg8[%parallel_loop3A_841, %parallel_loop3A_842, %parallel_loop3A_843] {strides = array<i32>} : memref<3x16x2048xf32, #tpu.memory_space<vmem>>, vector<1x1x16xf32>,
        %parallel_loop3A_845 = vector.shape_cast %parallel_loop3A_844 : vector<1x1x16xf32> to vector<16xf32>
        %parallel_loop3A_846 = vector.shape_cast %parallel_loop3A_839 : vector<16xf32> to vector<1x1x16xf32>
        tpu.vector_store %arg8[%parallel_loop3A_841, %parallel_loop3A_842, %parallel_loop3A_843], %parallel_loop3A_846 {strides = array<i32>} : memref<3x16x2048xf32, #tpu.memory_space<vmem>>, vector<1x1x16xf32>,
        %parallel_loop3A_847 = arith.constant 7 : i32
        %parallel_loop3A_848 = arith.index_cast %rem3A_47 : i32 to index
        %parallel_loop3A_849 = arith.index_cast %parallel_loop3A_847 : i32 to index
        %parallel_loop3A_850 = arith.index_cast %parallel_loop3A_738 : i32 to index
        %parallel_loop3A_851 = tpu.vector_load %arg8[%parallel_loop3A_848, %parallel_loop3A_849, %parallel_loop3A_850] {strides = array<i32>} : memref<3x16x2048xf32, #tpu.memory_space<vmem>>, vector<1x1x16xf32>,
        %parallel_loop3A_852 = vector.shape_cast %parallel_loop3A_851 : vector<1x1x16xf32> to vector<16xf32>
        %parallel_loop3A_853 = arith.mulf %parallel_loop3A_852, %gather3A_623 : vector<16xf32>
        %parallel_loop3A_854 = arith.mulf %parallel_loop3A_853, %parallel_loop3A_741 : vector<16xf32>
        %parallel_loop3A_855 = arith.constant 7 : i32
        %parallel_loop3A_856 = arith.index_cast %rem3A_47 : i32 to index
        %parallel_loop3A_857 = arith.index_cast %parallel_loop3A_855 : i32 to index
        %parallel_loop3A_858 = arith.index_cast %parallel_loop3A_738 : i32 to index
        %parallel_loop3A_859 = tpu.vector_load %arg8[%parallel_loop3A_856, %parallel_loop3A_857, %parallel_loop3A_858] {strides = array<i32>} : memref<3x16x2048xf32, #tpu.memory_space<vmem>>, vector<1x1x16xf32>,
        %parallel_loop3A_860 = vector.shape_cast %parallel_loop3A_859 : vector<1x1x16xf32> to vector<16xf32>
        %parallel_loop3A_861 = vector.shape_cast %parallel_loop3A_854 : vector<16xf32> to vector<1x1x16xf32>
        tpu.vector_store %arg8[%parallel_loop3A_856, %parallel_loop3A_857, %parallel_loop3A_858], %parallel_loop3A_861 {strides = array<i32>} : memref<3x16x2048xf32, #tpu.memory_space<vmem>>, vector<1x1x16xf32>,
        %parallel_loop3A_862 = arith.constant 8 : i32
        %parallel_loop3A_863 = arith.index_cast %rem3A_47 : i32 to index
        %parallel_loop3A_864 = arith.index_cast %parallel_loop3A_862 : i32 to index
        %parallel_loop3A_865 = arith.index_cast %parallel_loop3A_738 : i32 to index
        %parallel_loop3A_866 = tpu.vector_load %arg8[%parallel_loop3A_863, %parallel_loop3A_864, %parallel_loop3A_865] {strides = array<i32>} : memref<3x16x2048xf32, #tpu.memory_space<vmem>>, vector<1x1x16xf32>,
        %parallel_loop3A_867 = vector.shape_cast %parallel_loop3A_866 : vector<1x1x16xf32> to vector<16xf32>
        %parallel_loop3A_868 = arith.mulf %parallel_loop3A_867, %gather3A_635 : vector<16xf32>
        %parallel_loop3A_869 = arith.mulf %parallel_loop3A_868, %parallel_loop3A_741 : vector<16xf32>
        %parallel_loop3A_870 = arith.constant 8 : i32
        %parallel_loop3A_871 = arith.index_cast %rem3A_47 : i32 to index
        %parallel_loop3A_872 = arith.index_cast %parallel_loop3A_870 : i32 to index
        %parallel_loop3A_873 = arith.index_cast %parallel_loop3A_738 : i32 to index
        %parallel_loop3A_874 = tpu.vector_load %arg8[%parallel_loop3A_871, %parallel_loop3A_872, %parallel_loop3A_873] {strides = array<i32>} : memref<3x16x2048xf32, #tpu.memory_space<vmem>>, vector<1x1x16xf32>,
        %parallel_loop3A_875 = vector.shape_cast %parallel_loop3A_874 : vector<1x1x16xf32> to vector<16xf32>
        %parallel_loop3A_876 = vector.shape_cast %parallel_loop3A_869 : vector<16xf32> to vector<1x1x16xf32>
        tpu.vector_store %arg8[%parallel_loop3A_871, %parallel_loop3A_872, %parallel_loop3A_873], %parallel_loop3A_876 {strides = array<i32>} : memref<3x16x2048xf32, #tpu.memory_space<vmem>>, vector<1x1x16xf32>,
        %parallel_loop3A_877 = arith.constant 9 : i32
        %parallel_loop3A_878 = arith.index_cast %rem3A_47 : i32 to index
        %parallel_loop3A_879 = arith.index_cast %parallel_loop3A_877 : i32 to index
        %parallel_loop3A_880 = arith.index_cast %parallel_loop3A_738 : i32 to index
        %parallel_loop3A_881 = tpu.vector_load %arg8[%parallel_loop3A_878, %parallel_loop3A_879, %parallel_loop3A_880] {strides = array<i32>} : memref<3x16x2048xf32, #tpu.memory_space<vmem>>, vector<1x1x16xf32>,
        %parallel_loop3A_882 = vector.shape_cast %parallel_loop3A_881 : vector<1x1x16xf32> to vector<16xf32>
        %parallel_loop3A_883 = arith.mulf %parallel_loop3A_882, %gather3A_647 : vector<16xf32>
        %parallel_loop3A_884 = arith.mulf %parallel_loop3A_883, %parallel_loop3A_741 : vector<16xf32>
        %parallel_loop3A_885 = arith.constant 9 : i32
        %parallel_loop3A_886 = arith.index_cast %rem3A_47 : i32 to index
        %parallel_loop3A_887 = arith.index_cast %parallel_loop3A_885 : i32 to index
        %parallel_loop3A_888 = arith.index_cast %parallel_loop3A_738 : i32 to index
        %parallel_loop3A_889 = tpu.vector_load %arg8[%parallel_loop3A_886, %parallel_loop3A_887, %parallel_loop3A_888] {strides = array<i32>} : memref<3x16x2048xf32, #tpu.memory_space<vmem>>, vector<1x1x16xf32>,
        %parallel_loop3A_890 = vector.shape_cast %parallel_loop3A_889 : vector<1x1x16xf32> to vector<16xf32>
        %parallel_loop3A_891 = vector.shape_cast %parallel_loop3A_884 : vector<16xf32> to vector<1x1x16xf32>
        tpu.vector_store %arg8[%parallel_loop3A_886, %parallel_loop3A_887, %parallel_loop3A_888], %parallel_loop3A_891 {strides = array<i32>} : memref<3x16x2048xf32, #tpu.memory_space<vmem>>, vector<1x1x16xf32>,
        %parallel_loop3A_892 = arith.constant 10 : i32
        %parallel_loop3A_893 = arith.index_cast %rem3A_47 : i32 to index
        %parallel_loop3A_894 = arith.index_cast %parallel_loop3A_892 : i32 to index
        %parallel_loop3A_895 = arith.index_cast %parallel_loop3A_738 : i32 to index
        %parallel_loop3A_896 = tpu.vector_load %arg8[%parallel_loop3A_893, %parallel_loop3A_894, %parallel_loop3A_895] {strides = array<i32>} : memref<3x16x2048xf32, #tpu.memory_space<vmem>>, vector<1x1x16xf32>,
        %parallel_loop3A_897 = vector.shape_cast %parallel_loop3A_896 : vector<1x1x16xf32> to vector<16xf32>
        %parallel_loop3A_898 = arith.mulf %parallel_loop3A_897, %gather3A_659 : vector<16xf32>
        %parallel_loop3A_899 = arith.mulf %parallel_loop3A_898, %parallel_loop3A_741 : vector<16xf32>
        %parallel_loop3A_900 = arith.constant 10 : i32
        %parallel_loop3A_901 = arith.index_cast %rem3A_47 : i32 to index
        %parallel_loop3A_902 = arith.index_cast %parallel_loop3A_900 : i32 to index
        %parallel_loop3A_903 = arith.index_cast %parallel_loop3A_738 : i32 to index
        %parallel_loop3A_904 = tpu.vector_load %arg8[%parallel_loop3A_901, %parallel_loop3A_902, %parallel_loop3A_903] {strides = array<i32>} : memref<3x16x2048xf32, #tpu.memory_space<vmem>>, vector<1x1x16xf32>,
        %parallel_loop3A_905 = vector.shape_cast %parallel_loop3A_904 : vector<1x1x16xf32> to vector<16xf32>
        %parallel_loop3A_906 = vector.shape_cast %parallel_loop3A_899 : vector<16xf32> to vector<1x1x16xf32>
        tpu.vector_store %arg8[%parallel_loop3A_901, %parallel_loop3A_902, %parallel_loop3A_903], %parallel_loop3A_906 {strides = array<i32>} : memref<3x16x2048xf32, #tpu.memory_space<vmem>>, vector<1x1x16xf32>,
        %parallel_loop3A_907 = arith.constant 11 : i32
        %parallel_loop3A_908 = arith.index_cast %rem3A_47 : i32 to index
        %parallel_loop3A_909 = arith.index_cast %parallel_loop3A_907 : i32 to index
        %parallel_loop3A_910 = arith.index_cast %parallel_loop3A_738 : i32 to index
        %parallel_loop3A_911 = tpu.vector_load %arg8[%parallel_loop3A_908, %parallel_loop3A_909, %parallel_loop3A_910] {strides = array<i32>} : memref<3x16x2048xf32, #tpu.memory_space<vmem>>, vector<1x1x16xf32>,
        %parallel_loop3A_912 = vector.shape_cast %parallel_loop3A_911 : vector<1x1x16xf32> to vector<16xf32>
        %parallel_loop3A_913 = arith.mulf %parallel_loop3A_912, %gather3A_671 : vector<16xf32>
        %parallel_loop3A_914 = arith.mulf %parallel_loop3A_913, %parallel_loop3A_741 : vector<16xf32>
        %parallel_loop3A_915 = arith.constant 11 : i32
        %parallel_loop3A_916 = arith.index_cast %rem3A_47 : i32 to index
        %parallel_loop3A_917 = arith.index_cast %parallel_loop3A_915 : i32 to index
        %parallel_loop3A_918 = arith.index_cast %parallel_loop3A_738 : i32 to index
        %parallel_loop3A_919 = tpu.vector_load %arg8[%parallel_loop3A_916, %parallel_loop3A_917, %parallel_loop3A_918] {strides = array<i32>} : memref<3x16x2048xf32, #tpu.memory_space<vmem>>, vector<1x1x16xf32>,
        %parallel_loop3A_920 = vector.shape_cast %parallel_loop3A_919 : vector<1x1x16xf32> to vector<16xf32>
        %parallel_loop3A_921 = vector.shape_cast %parallel_loop3A_914 : vector<16xf32> to vector<1x1x16xf32>
        tpu.vector_store %arg8[%parallel_loop3A_916, %parallel_loop3A_917, %parallel_loop3A_918], %parallel_loop3A_921 {strides = array<i32>} : memref<3x16x2048xf32, #tpu.memory_space<vmem>>, vector<1x1x16xf32>,
        %parallel_loop3A_922 = arith.constant 12 : i32
        %parallel_loop3A_923 = arith.index_cast %rem3A_47 : i32 to index
        %parallel_loop3A_924 = arith.index_cast %parallel_loop3A_922 : i32 to index
        %parallel_loop3A_925 = arith.index_cast %parallel_loop3A_738 : i32 to index
        %parallel_loop3A_926 = tpu.vector_load %arg8[%parallel_loop3A_923, %parallel_loop3A_924, %parallel_loop3A_925] {strides = array<i32>} : memref<3x16x2048xf32, #tpu.memory_space<vmem>>, vector<1x1x16xf32>,
        %parallel_loop3A_927 = vector.shape_cast %parallel_loop3A_926 : vector<1x1x16xf32> to vector<16xf32>
        %parallel_loop3A_928 = arith.mulf %parallel_loop3A_927, %gather3A_683 : vector<16xf32>
        %parallel_loop3A_929 = arith.mulf %parallel_loop3A_928, %parallel_loop3A_741 : vector<16xf32>
        %parallel_loop3A_930 = arith.constant 12 : i32
        %parallel_loop3A_931 = arith.index_cast %rem3A_47 : i32 to index
        %parallel_loop3A_932 = arith.index_cast %parallel_loop3A_930 : i32 to index
        %parallel_loop3A_933 = arith.index_cast %parallel_loop3A_738 : i32 to index
        %parallel_loop3A_934 = tpu.vector_load %arg8[%parallel_loop3A_931, %parallel_loop3A_932, %parallel_loop3A_933] {strides = array<i32>} : memref<3x16x2048xf32, #tpu.memory_space<vmem>>, vector<1x1x16xf32>,
        %parallel_loop3A_935 = vector.shape_cast %parallel_loop3A_934 : vector<1x1x16xf32> to vector<16xf32>
        %parallel_loop3A_936 = vector.shape_cast %parallel_loop3A_929 : vector<16xf32> to vector<1x1x16xf32>
        tpu.vector_store %arg8[%parallel_loop3A_931, %parallel_loop3A_932, %parallel_loop3A_933], %parallel_loop3A_936 {strides = array<i32>} : memref<3x16x2048xf32, #tpu.memory_space<vmem>>, vector<1x1x16xf32>,
        %parallel_loop3A_937 = arith.constant 13 : i32
        %parallel_loop3A_938 = arith.index_cast %rem3A_47 : i32 to index
        %parallel_loop3A_939 = arith.index_cast %parallel_loop3A_937 : i32 to index
        %parallel_loop3A_940 = arith.index_cast %parallel_loop3A_738 : i32 to index
        %parallel_loop3A_941 = tpu.vector_load %arg8[%parallel_loop3A_938, %parallel_loop3A_939, %parallel_loop3A_940] {strides = array<i32>} : memref<3x16x2048xf32, #tpu.memory_space<vmem>>, vector<1x1x16xf32>,
        %parallel_loop3A_942 = vector.shape_cast %parallel_loop3A_941 : vector<1x1x16xf32> to vector<16xf32>
        %parallel_loop3A_943 = arith.mulf %parallel_loop3A_942, %gather3A_695 : vector<16xf32>
        %parallel_loop3A_944 = arith.mulf %parallel_loop3A_943, %parallel_loop3A_741 : vector<16xf32>
        %parallel_loop3A_945 = arith.constant 13 : i32
        %parallel_loop3A_946 = arith.index_cast %rem3A_47 : i32 to index
        %parallel_loop3A_947 = arith.index_cast %parallel_loop3A_945 : i32 to index
        %parallel_loop3A_948 = arith.index_cast %parallel_loop3A_738 : i32 to index
        %parallel_loop3A_949 = tpu.vector_load %arg8[%parallel_loop3A_946, %parallel_loop3A_947, %parallel_loop3A_948] {strides = array<i32>} : memref<3x16x2048xf32, #tpu.memory_space<vmem>>, vector<1x1x16xf32>,
        %parallel_loop3A_950 = vector.shape_cast %parallel_loop3A_949 : vector<1x1x16xf32> to vector<16xf32>
        %parallel_loop3A_951 = vector.shape_cast %parallel_loop3A_944 : vector<16xf32> to vector<1x1x16xf32>
        tpu.vector_store %arg8[%parallel_loop3A_946, %parallel_loop3A_947, %parallel_loop3A_948], %parallel_loop3A_951 {strides = array<i32>} : memref<3x16x2048xf32, #tpu.memory_space<vmem>>, vector<1x1x16xf32>,
        %parallel_loop3A_952 = arith.constant 14 : i32
        %parallel_loop3A_953 = arith.index_cast %rem3A_47 : i32 to index
        %parallel_loop3A_954 = arith.index_cast %parallel_loop3A_952 : i32 to index
        %parallel_loop3A_955 = arith.index_cast %parallel_loop3A_738 : i32 to index
        %parallel_loop3A_956 = tpu.vector_load %arg8[%parallel_loop3A_953, %parallel_loop3A_954, %parallel_loop3A_955] {strides = array<i32>} : memref<3x16x2048xf32, #tpu.memory_space<vmem>>, vector<1x1x16xf32>,
        %parallel_loop3A_957 = vector.shape_cast %parallel_loop3A_956 : vector<1x1x16xf32> to vector<16xf32>
        %parallel_loop3A_958 = arith.mulf %parallel_loop3A_957, %gather3A_707 : vector<16xf32>
        %parallel_loop3A_959 = arith.mulf %parallel_loop3A_958, %parallel_loop3A_741 : vector<16xf32>
        %parallel_loop3A_960 = arith.constant 14 : i32
        %parallel_loop3A_961 = arith.index_cast %rem3A_47 : i32 to index
        %parallel_loop3A_962 = arith.index_cast %parallel_loop3A_960 : i32 to index
        %parallel_loop3A_963 = arith.index_cast %parallel_loop3A_738 : i32 to index
        %parallel_loop3A_964 = tpu.vector_load %arg8[%parallel_loop3A_961, %parallel_loop3A_962, %parallel_loop3A_963] {strides = array<i32>} : memref<3x16x2048xf32, #tpu.memory_space<vmem>>, vector<1x1x16xf32>,
        %parallel_loop3A_965 = vector.shape_cast %parallel_loop3A_964 : vector<1x1x16xf32> to vector<16xf32>
        %parallel_loop3A_966 = vector.shape_cast %parallel_loop3A_959 : vector<16xf32> to vector<1x1x16xf32>
        tpu.vector_store %arg8[%parallel_loop3A_961, %parallel_loop3A_962, %parallel_loop3A_963], %parallel_loop3A_966 {strides = array<i32>} : memref<3x16x2048xf32, #tpu.memory_space<vmem>>, vector<1x1x16xf32>,
        %parallel_loop3A_967 = arith.constant 15 : i32
        %parallel_loop3A_968 = arith.index_cast %rem3A_47 : i32 to index
        %parallel_loop3A_969 = arith.index_cast %parallel_loop3A_967 : i32 to index
        %parallel_loop3A_970 = arith.index_cast %parallel_loop3A_738 : i32 to index
        %parallel_loop3A_971 = tpu.vector_load %arg8[%parallel_loop3A_968, %parallel_loop3A_969, %parallel_loop3A_970] {strides = array<i32>} : memref<3x16x2048xf32, #tpu.memory_space<vmem>>, vector<1x1x16xf32>,
        %parallel_loop3A_972 = vector.shape_cast %parallel_loop3A_971 : vector<1x1x16xf32> to vector<16xf32>
        %parallel_loop3A_973 = arith.mulf %parallel_loop3A_972, %gather3A_719 : vector<16xf32>
        %parallel_loop3A_974 = arith.mulf %parallel_loop3A_973, %parallel_loop3A_741 : vector<16xf32>
        %parallel_loop3A_975 = arith.constant 15 : i32
        %parallel_loop3A_976 = arith.index_cast %rem3A_47 : i32 to index
        %parallel_loop3A_977 = arith.index_cast %parallel_loop3A_975 : i32 to index
        %parallel_loop3A_978 = arith.index_cast %parallel_loop3A_738 : i32 to index
        %parallel_loop3A_979 = tpu.vector_load %arg8[%parallel_loop3A_976, %parallel_loop3A_977, %parallel_loop3A_978] {strides = array<i32>} : memref<3x16x2048xf32, #tpu.memory_space<vmem>>, vector<1x1x16xf32>,
        %parallel_loop3A_980 = vector.shape_cast %parallel_loop3A_979 : vector<1x1x16xf32> to vector<16xf32>
        %parallel_loop3A_981 = vector.shape_cast %parallel_loop3A_974 : vector<16xf32> to vector<1x1x16xf32>
        tpu.vector_store %arg8[%parallel_loop3A_976, %parallel_loop3A_977, %parallel_loop3A_978], %parallel_loop3A_981 {strides = array<i32>} : memref<3x16x2048xf32, #tpu.memory_space<vmem>>, vector<1x1x16xf32>,
      } {sc.loop_unroll_factor = 2 : i64, sc.parallel_access}
      %eq3A_723 = arith.constant 0 : i32
      %eq3A_724 = arith.cmpi eq, %rem3A_47, %eq3A_723 : i32
      %convert_element_type3A_725 = arith.extui %eq3A_724 : i1 to i32
      %cond3A_726 = arith.constant 0 : i32
      %cond3A_727 = arith.cmpi ne, %convert_element_type3A_725, %cond3A_726 : i32
      scf.if %cond3A_727 {
        %mul3A_738 = arith.constant 16 : i32
        %mul3A_739 = arith.muli %scan3A_46, %mul3A_738 : i32
        %add3A_740 = arith.addi %mul3A_2, %mul3A_739 : i32
        %dma_start3A_741 = arith.constant 0 : i32
        %dma_start3A_742 = arith.constant 0 : i32
        %dma_start3A_743 = arith.constant 0 : i32
        %dma_start3A_744 = tpu.memref_slice %arg8[%dma_start3A_741, %dma_start3A_742, %dma_start3A_743] : memref<3x16x2048xf32, #tpu.memory_space<vmem>> -> memref<1x16x2048xf32, #tpu.memory_space<vmem>>
        %dma_start3A_745 = tpu.memref_squeeze %dma_start3A_744 : memref<1x16x2048xf32, #tpu.memory_space<vmem>> -> memref<16x2048xf32, #tpu.memory_space<vmem>>
        %dma_start3A_746 = arith.constant 0 : i32
        %dma_start3A_747 = tpu.memref_slice %arg5[%add3A_740, %dma_start3A_746] : memref<8192x2048xf32, #tpu.memory_space<hbm>> -> memref<16x2048xf32, #tpu.memory_space<hbm>>
        %dma_start3A_748 = arith.constant 0 : i32
        %dma_start3A_749 = tpu.memref_slice %arg5[%add3A_740, %dma_start3A_748] : memref<8192x2048xf32, #tpu.memory_space<hbm>> -> memref<16x2048xf32, #tpu.memory_space<hbm>>
        %dma_start3A_750 = arith.constant 0 : i32
        %dma_start3A_751 = arith.constant 0 : i32
        %dma_start3A_752 = tpu.memref_slice %arg8[%dma_start3A_741, %dma_start3A_750, %dma_start3A_751] : memref<3x16x2048xf32, #tpu.memory_space<vmem>> -> memref<1x16x2048xf32, #tpu.memory_space<vmem>>
        %dma_start3A_753 = tpu.memref_squeeze %dma_start3A_752 : memref<1x16x2048xf32, #tpu.memory_space<vmem>> -> memref<16x2048xf32, #tpu.memory_space<vmem>>
        tpu.enqueue_dma source(%dma_start3A_753 : memref<16x2048xf32, #tpu.memory_space<vmem>>) target(%dma_start3A_749 : memref<16x2048xf32, #tpu.memory_space<hbm>>) target_semaphore(%arg12 : memref<!tpu.dma_semaphore, #tpu.memory_space<semaphore_mem>>)
      } else {
      }
      %eq3A_728 = arith.constant 1 : i32
      %eq3A_729 = arith.cmpi eq, %rem3A_47, %eq3A_728 : i32
      %convert_element_type3A_730 = arith.extui %eq3A_729 : i1 to i32
      %cond3A_731 = arith.constant 0 : i32
      %cond3A_732 = arith.cmpi ne, %convert_element_type3A_730, %cond3A_731 : i32
      scf.if %cond3A_732 {
        %mul3A_738 = arith.constant 16 : i32
        %mul3A_739 = arith.muli %scan3A_46, %mul3A_738 : i32
        %add3A_740 = arith.addi %mul3A_2, %mul3A_739 : i32
        %dma_start3A_741 = arith.constant 1 : i32
        %dma_start3A_742 = arith.constant 0 : i32
        %dma_start3A_743 = arith.constant 0 : i32
        %dma_start3A_744 = tpu.memref_slice %arg8[%dma_start3A_741, %dma_start3A_742, %dma_start3A_743] : memref<3x16x2048xf32, #tpu.memory_space<vmem>> -> memref<1x16x2048xf32, #tpu.memory_space<vmem>>
        %dma_start3A_745 = tpu.memref_squeeze %dma_start3A_744 : memref<1x16x2048xf32, #tpu.memory_space<vmem>> -> memref<16x2048xf32, #tpu.memory_space<vmem>>
        %dma_start3A_746 = arith.constant 0 : i32
        %dma_start3A_747 = tpu.memref_slice %arg5[%add3A_740, %dma_start3A_746] : memref<8192x2048xf32, #tpu.memory_space<hbm>> -> memref<16x2048xf32, #tpu.memory_space<hbm>>
        %dma_start3A_748 = arith.constant 0 : i32
        %dma_start3A_749 = tpu.memref_slice %arg5[%add3A_740, %dma_start3A_748] : memref<8192x2048xf32, #tpu.memory_space<hbm>> -> memref<16x2048xf32, #tpu.memory_space<hbm>>
        %dma_start3A_750 = arith.constant 0 : i32
        %dma_start3A_751 = arith.constant 0 : i32
        %dma_start3A_752 = tpu.memref_slice %arg8[%dma_start3A_741, %dma_start3A_750, %dma_start3A_751] : memref<3x16x2048xf32, #tpu.memory_space<vmem>> -> memref<1x16x2048xf32, #tpu.memory_space<vmem>>
        %dma_start3A_753 = tpu.memref_squeeze %dma_start3A_752 : memref<1x16x2048xf32, #tpu.memory_space<vmem>> -> memref<16x2048xf32, #tpu.memory_space<vmem>>
        tpu.enqueue_dma source(%dma_start3A_753 : memref<16x2048xf32, #tpu.memory_space<vmem>>) target(%dma_start3A_749 : memref<16x2048xf32, #tpu.memory_space<hbm>>) target_semaphore(%arg13 : memref<!tpu.dma_semaphore, #tpu.memory_space<semaphore_mem>>)
      } else {
      }
      %eq3A_733 = arith.constant 2 : i32
      %eq3A_734 = arith.cmpi eq, %rem3A_47, %eq3A_733 : i32
      %convert_element_type3A_735 = arith.extui %eq3A_734 : i1 to i32
      %cond3A_736 = arith.constant 0 : i32
      %cond3A_737 = arith.cmpi ne, %convert_element_type3A_735, %cond3A_736 : i32
      scf.if %cond3A_737 {
        %mul3A_738 = arith.constant 16 : i32
        %mul3A_739 = arith.muli %scan3A_46, %mul3A_738 : i32
        %add3A_740 = arith.addi %mul3A_2, %mul3A_739 : i32
        %dma_start3A_741 = arith.constant 2 : i32
        %dma_start3A_742 = arith.constant 0 : i32
        %dma_start3A_743 = arith.constant 0 : i32
        %dma_start3A_744 = tpu.memref_slice %arg8[%dma_start3A_741, %dma_start3A_742, %dma_start3A_743] : memref<3x16x2048xf32, #tpu.memory_space<vmem>> -> memref<1x16x2048xf32, #tpu.memory_space<vmem>>
        %dma_start3A_745 = tpu.memref_squeeze %dma_start3A_744 : memref<1x16x2048xf32, #tpu.memory_space<vmem>> -> memref<16x2048xf32, #tpu.memory_space<vmem>>
        %dma_start3A_746 = arith.constant 0 : i32
        %dma_start3A_747 = tpu.memref_slice %arg5[%add3A_740, %dma_start3A_746] : memref<8192x2048xf32, #tpu.memory_space<hbm>> -> memref<16x2048xf32, #tpu.memory_space<hbm>>
        %dma_start3A_748 = arith.constant 0 : i32
        %dma_start3A_749 = tpu.memref_slice %arg5[%add3A_740, %dma_start3A_748] : memref<8192x2048xf32, #tpu.memory_space<hbm>> -> memref<16x2048xf32, #tpu.memory_space<hbm>>
        %dma_start3A_750 = arith.constant 0 : i32
        %dma_start3A_751 = arith.constant 0 : i32
        %dma_start3A_752 = tpu.memref_slice %arg8[%dma_start3A_741, %dma_start3A_750, %dma_start3A_751] : memref<3x16x2048xf32, #tpu.memory_space<vmem>> -> memref<1x16x2048xf32, #tpu.memory_space<vmem>>
        %dma_start3A_753 = tpu.memref_squeeze %dma_start3A_752 : memref<1x16x2048xf32, #tpu.memory_space<vmem>> -> memref<16x2048xf32, #tpu.memory_space<vmem>>
        tpu.enqueue_dma source(%dma_start3A_753 : memref<16x2048xf32, #tpu.memory_space<vmem>>) target(%dma_start3A_749 : memref<16x2048xf32, #tpu.memory_space<hbm>>) target_semaphore(%arg14 : memref<!tpu.dma_semaphore, #tpu.memory_space<semaphore_mem>>)
      } else {
      }
    }
    %scan3A_16 = arith.constant 16 : i32
    %add3A_17 = arith.constant 224 : i32
    %add3A_18 = arith.addi %mul3A_2, %add3A_17 : i32
    %dma_wait3A = arith.constant 2 : i32
    %dma_wait3A_19 = arith.constant 0 : i32
    %dma_wait3A_20 = arith.constant 0 : i32
    %dma_wait3A_21 = tpu.memref_slice %arg8[%dma_wait3A, %dma_wait3A_19, %dma_wait3A_20] : memref<3x16x2048xf32, #tpu.memory_space<vmem>> -> memref<1x16x2048xf32, #tpu.memory_space<vmem>>
    %dma_wait3A_22 = tpu.memref_squeeze %dma_wait3A_21 : memref<1x16x2048xf32, #tpu.memory_space<vmem>> -> memref<16x2048xf32, #tpu.memory_space<vmem>>
    %dma_wait3A_23 = arith.constant 0 : i32
    %dma_wait3A_24 = tpu.memref_slice %arg5[%add3A_18, %dma_wait3A_23] : memref<8192x2048xf32, #tpu.memory_space<hbm>> -> memref<16x2048xf32, #tpu.memory_space<hbm>>
    %dma_wait3A_25 = arith.constant 0 : i32
    %dma_wait3A_26 = tpu.memref_slice %arg5[%add3A_18, %dma_wait3A_25] : memref<8192x2048xf32, #tpu.memory_space<hbm>> -> memref<16x2048xf32, #tpu.memory_space<hbm>>
    %dma_wait3A_27 = arith.constant 0 : i32
    %dma_wait3A_28 = arith.constant 0 : i32
    %dma_wait3A_29 = tpu.memref_slice %arg8[%dma_wait3A, %dma_wait3A_27, %dma_wait3A_28] : memref<3x16x2048xf32, #tpu.memory_space<vmem>> -> memref<1x16x2048xf32, #tpu.memory_space<vmem>>
    %dma_wait3A_30 = tpu.memref_squeeze %dma_wait3A_29 : memref<1x16x2048xf32, #tpu.memory_space<vmem>> -> memref<16x2048xf32, #tpu.memory_space<vmem>>
    tpu.wait_dma2 semaphore(%arg14 : memref<!tpu.dma_semaphore, #tpu.memory_space<semaphore_mem>>) src(%dma_wait3A_30 : memref<16x2048xf32, #tpu.memory_space<vmem>>) dst(%dma_wait3A_26 : memref<16x2048xf32, #tpu.memory_space<hbm>>)
    %add3A_31 = arith.constant 240 : i32
    %add3A_32 = arith.addi %mul3A_2, %add3A_31 : i32
    %dma_wait3A_33 = arith.constant 0 : i32
    %dma_wait3A_34 = arith.constant 0 : i32
    %dma_wait3A_35 = arith.constant 0 : i32
    %dma_wait3A_36 = tpu.memref_slice %arg8[%dma_wait3A_33, %dma_wait3A_34, %dma_wait3A_35] : memref<3x16x2048xf32, #tpu.memory_space<vmem>> -> memref<1x16x2048xf32, #tpu.memory_space<vmem>>
    %dma_wait3A_37 = tpu.memref_squeeze %dma_wait3A_36 : memref<1x16x2048xf32, #tpu.memory_space<vmem>> -> memref<16x2048xf32, #tpu.memory_space<vmem>>
    %dma_wait3A_38 = arith.constant 0 : i32
    %dma_wait3A_39 = tpu.memref_slice %arg5[%add3A_32, %dma_wait3A_38] : memref<8192x2048xf32, #tpu.memory_space<hbm>> -> memref<16x2048xf32, #tpu.memory_space<hbm>>
    %dma_wait3A_40 = arith.constant 0 : i32
    %dma_wait3A_41 = tpu.memref_slice %arg5[%add3A_32, %dma_wait3A_40] : memref<8192x2048xf32, #tpu.memory_space<hbm>> -> memref<16x2048xf32, #tpu.memory_space<hbm>>
    %dma_wait3A_42 = arith.constant 0 : i32
    %dma_wait3A_43 = arith.constant 0 : i32
    %dma_wait3A_44 = tpu.memref_slice %arg8[%dma_wait3A_33, %dma_wait3A_42, %dma_wait3A_43] : memref<3x16x2048xf32, #tpu.memory_space<vmem>> -> memref<1x16x2048xf32, #tpu.memory_space<vmem>>
    %dma_wait3A_45 = tpu.memref_squeeze %dma_wait3A_44 : memref<1x16x2048xf32, #tpu.memory_space<vmem>> -> memref<16x2048xf32, #tpu.memory_space<vmem>>
    tpu.wait_dma2 semaphore(%arg12 : memref<!tpu.dma_semaphore, #tpu.memory_space<semaphore_mem>>) src(%dma_wait3A_45 : memref<16x2048xf32, #tpu.memory_space<vmem>>) dst(%dma_wait3A_41 : memref<16x2048xf32, #tpu.memory_space<hbm>>)
    return
  }
}

</mosaic_0001>

<sc_bundles>
// kernel: kernel.3.cloned.1.call-start
scs
__scs_entry_jumppad:
0x0: {  	(pc) =	sbr.rel $0x88, $3  }
0x1: {  	(tag) =	ssettag $0x0;
	lr =	simm.s32 $0x1  }
0x2: {  	[smem:$0x3F9E] =	sst lr;
	_ =	strace $0xD0000000  }
0x3: {  	_ = 	snop  }
0x4: {  	_ = 	snop  }
0x5: {  	_ = 	snop  }
0x6: {  	_ = 	snop  }
0x7: {  	_ = 	snop  }
__scs_overlays_trampoline_lowered:
0x8: {  	[smem:$0x3FAD] =	sst s0  }
0x9: {  	[smem:$0x3FAE] =	sst s1  }
0xa: {  	[smem:$0x3FAF] =	sst s2  }
0xb: {  	[smem:$0x3FB0] =	sst s3  }
0xc: {  	[smem:$0x3FB1] =	sst s4  }
0xd: {  	[smem:$0x3FB2] =	sst s5  }
0xe: {  	[smem:$0x3FB3] =	sst s6  }
0xf: {  	[smem:$0x3FB4] =	sst s7  }
0x10: {  	[smem:$0x3FB5] =	sst s8  }
0x11: {  	[smem:$0x3FB6] =	sst s9;
	s0 =	simm.s32 @!p0 $0x0  }
0x12: {  	s1 =	sld [smem:$0x3F9C];
	s0 =	simm.s32 @p0 $0x1  }
0x13: {  	[smem:$0x3FB7] =	sst s0;
	s0 =	simm.s32 @!p1 $0x0  }
0x14: {  	s2 =	sld [smem:$0x3F9B];
	s0 =	simm.s32 @p1 $0x1  }
0x15: {  	[smem:$0x3FB8] =	sst s0;
	s0 =	simm.s32 @!p2 $0x0  }
0x16: {  	s3 =	sld [smem:$0x3FDB];
	s0 =	simm.s32 @p2 $0x1  }
0x17: {  	s4 =	simm.s32 $0x1BF5;
	[smem:$0x3FBA] =	sst s0  }
0x18: {  	s0 =	sld [smem:$0x3F9D];
	_ =	swait.ge [sflag:s4], $0x0  }
0x19: {  	s7 =	sld [smem:$0x3F9E]  }
0x1a: {  	s8 =	sadd.s32 $0xFFFFE003, lr  }
0x1b: {  	s9 =	sadd.s32 $0xFFFFFEF7, lr;
	s5 =	simm.s32 $0xFFFFFFFF;
	p2 =	slt.u32 s8, $0xFFFFF086  }
0x1c: {  	p1 =	slt.u32 s9, $0xF7A;
	s5 =	simm.s32 @!p2 $0x0  }
0x1d: {  	s5 =	simm.s32 @p1 $0x1;
	p0 =	seq.s32 s7, s2  }
0x1e: {  	s7 =	smul.u32 @!p0 $0xF7A, s2;
	p2 =	seq.s32 @!p0 s5, $0x0  }
0x1f: {  	s9 =	smul.u32 $0xF7A, s1;
	s8 =	simm.s32 @!p0 $0x1BF5;
	p2 =	por !p2, p0  }
0x20: {  	[sflag:s8] =	ssyncset.s32 @!p0 $0xFFFFF086;
	s6 =	sadd.s32 @!p0 s3, s7;
	s7 =	simm.s32 @!p0 $0x108  }
0x21: {  	s3 =	sadd.s32 s3, s9;
	s6 =	sadd.s32 @!p0 $0x88, s6;
	s7 =	simm.s32 @p2 $0x1082  }
0x22: {  	[simem:s7], [sflag:s8] =	dma.local @!p0 [hbm:s6], $0xF7A  }
0x23: {  	s9 =	sor.u32 $0xD0000000, s2;
	s6 =	simm.s32 $0x108;
	_ =	swait.ge @!p0 [sflag:s8], $0x0  }
0x24: {  	s3 =	sadd.s32 $0x88, s3;
	s6 =	simm.s32 @!p1 $0x1082;
	[sflag:s4] =	ssyncset.s32 $0xFFFFF086  }
0x25: {  	[simem:s6], [sflag:s4] =	dma.local [hbm:s3], $0xF7A  }
0x26: {  	[smem:$0x3F9E] =	sst s1;
	(tag) =	ssettag s2;
	_ =	strace s9  }
0x27: {  	s1 =	sld [smem:$0x3FAE]  }
0x28: {  	s2 =	sld [smem:$0x3FAF]  }
0x29: {  	s4 =	sld [smem:$0x3FB1]  }
0x2a: {  	p0 =	seq.s32 s5, $0x0;
	s5 =	sld [smem:$0x3FB2]  }
0x2b: {  	s6 =	sld [smem:$0x3FB3]  }
0x2c: {  	s7 =	sld [smem:$0x3FB4]  }
0x2d: {  	s3 =	simm.s32 $0x108;
	s8 =	sld [smem:$0x3FB5]  }
0x2e: {  	s3 =	simm.s32 @!p0 $0x1082;
	s9 =	sld [smem:$0x3FB6]  }
0x2f: {  	lr =	sadd.s32 s0, s3;
	s0 =	sld [smem:$0x3FAD]  }
0x30: {  	s3 =	sld [smem:$0x3FB0]  }
0x31: {  	[smem:$0x3FB9] =	sst s10  }
0x32: {  	s10 =	sld [smem:$0x3FB7];
	_ =	sdelay $0x3  }
0x33: {  	p0 =	seq.s32 s10, $0x1;
	s10 =	sld [smem:$0x3FB9];
	_ =	sdelay $0x3  }
0x34: {  	[smem:$0x3FB9] =	sst s10  }
0x35: {  	s10 =	sld [smem:$0x3FB8];
	_ =	sdelay $0x3  }
0x36: {  	p1 =	seq.s32 s10, $0x1;
	s10 =	sld [smem:$0x3FB9];
	_ =	sdelay $0x3  }
0x37: {  	[smem:$0x3FB9] =	sst s10  }
0x38: {  	s10 =	sld [smem:$0x3FBA]  }
0x39: {  	_ = 	snop;
	(pc) =	sbr.ind lr, $3  }
0x3a: {  	_ = 	snop  }
0x3b: {  	_ = 	snop  }
0x3c: {  	p2 =	seq.s32 s10, $0x1;
	s10 =	sld [smem:$0x3FB9]  }
0x3d: {  	_ =	shalt  }
0x3e: {  	_ =	shalt  }
0x3f: {  	_ =	shalt  }
0x40: {  	_ =	shalt  }
0x41: {  	_ =	shalt  }
0x42: {  	_ =	shalt  }
0x43: {  	_ =	shalt  }
0x44: {  	_ =	shalt  }
0x45: {  	_ =	shalt  }
0x46: {  	_ =	shalt  }
0x47: {  	_ =	shalt  }
0x48: {  	_ =	shalt  }
0x49: {  	_ =	shalt  }
0x4a: {  	_ =	shalt  }
0x4b: {  	_ =	shalt  }
0x4c: {  	_ =	shalt  }
0x4d: {  	_ =	shalt  }
0x4e: {  	_ =	shalt  }
0x4f: {  	_ =	shalt  }
0x50: {  	_ =	shalt  }
0x51: {  	_ =	shalt  }
0x52: {  	_ =	shalt  }
0x53: {  	_ =	shalt  }
0x54: {  	_ =	shalt  }
0x55: {  	_ =	shalt  }
0x56: {  	_ =	shalt  }
0x57: {  	_ =	shalt  }
0x58: {  	_ =	shalt  }
0x59: {  	_ =	shalt  }
0x5a: {  	_ =	shalt  }
0x5b: {  	_ =	shalt  }
0x5c: {  	_ =	shalt  }
0x5d: {  	_ =	shalt  }
0x5e: {  	_ =	shalt  }
0x5f: {  	_ =	shalt  }
0x60: {  	_ =	shalt  }
0x61: {  	_ =	shalt  }
0x62: {  	_ =	shalt  }
0x63: {  	_ =	shalt  }
0x64: {  	_ =	shalt  }
0x65: {  	_ =	shalt  }
0x66: {  	_ =	shalt  }
0x67: {  	_ =	shalt  }
0x68: {  	_ =	shalt  }
0x69: {  	_ =	shalt  }
0x6a: {  	_ =	shalt  }
0x6b: {  	_ =	shalt  }
0x6c: {  	_ =	shalt  }
0x6d: {  	_ =	shalt  }
0x6e: {  	_ =	shalt  }
0x6f: {  	_ =	shalt  }
0x70: {  	_ =	shalt  }
0x71: {  	_ =	shalt  }
0x72: {  	_ =	shalt  }
0x73: {  	_ =	shalt  }
0x74: {  	_ =	shalt  }
0x75: {  	_ =	shalt  }
0x76: {  	_ =	shalt  }
0x77: {  	_ =	shalt  }
0x78: {  	_ =	shalt  }
0x79: {  	_ =	shalt  }
0x7a: {  	_ =	shalt  }
0x7b: {  	_ =	shalt  }
0x7c: {  	_ =	shalt  }
0x7d: {  	_ =	shalt  }
0x7e: {  	_ =	shalt  }
0x7f: {  	_ =	shalt  }
0x80: {  	_ =	shalt  }
0x81: {  	_ =	shalt  }
0x82: {  	_ =	shalt  }
0x83: {  	_ =	shalt  }
0x84: {  	_ =	shalt  }
0x85: {  	_ =	shalt  }
0x86: {  	_ =	shalt  }
0x87: {  	_ =	shalt  }
.Lfunc_end0:
.L_simem_size_0:
called_computation_lowered:
.L_overlay_start_0:
0x88: {  	s2 =	sld [smem:$0x3FD9]  }
0x89: {  	s3 =	sld [smem:$0x3FFE];
	_ =	sdelay $0x1  }
0x8a: {  	s1 =	srdreg.scid  }
0x8b: {  	s0 =	sand.u32 $0x1, s1  }
0x8c: {  	s17 =	sshll.u32 s0, $0xA;
	s2 =	sadd.s32 s3, s2  }
0x8d: {  	s2 =	sadd.s32 s2, s17  }
0x8e: {  	[smem:$0x3FC5] =	sst s2  }
0x8f: {  	_ = 	snop  }
0x90: {  	s2 =	sld [smem:$0x3FC8]  }
0x91: {  	s18 =	sld [smem:$0x3FC7]  }
0x92: {  	s4 =	sld [smem:$0x3FD0];
	(tm) =	ssettm $0x1  }
0x93: {  	s5 =	sld [smem:$0x3FFB];
	_ =	sdelay $0x3  }
0x94: {  	_ =	strace s5  }
0x95: {  	s5 =	sld [smem:$0x3FFC];
	_ =	sdelay $0x3  }
0x96: {  	_ =	strace s5  }
0x97: {  	s5 =	sld [smem:$0x3FFD];
	_ =	sdelay $0x3  }
0x98: {  	_ =	strace s5  }
0x99: {  	_ =	strace $0x8FFFFFFF  }
0x9a: {  	s19 =	sld [smem:$0x3FDB];
	_ =	sdelay $0x1  }
0x9b: {  	s6 =	simm.s32 $_scs_section_size  }
0x9c: {  	s7 =	simm.s32 $_size__tile_overlayer_lowered;
	s8 =	simm.s32 $_tile_overlayer_lowered  }
0x9d: {  	s22 =	simm.s32 $0x1BFF;
	s21 =	sshll.u32 s8, $0x1;
	s5 =	sadd.s32 s6, s19  }
0x9e: {  	s9 =	simm.s32 $0x0;
	s20 =	sshll.u32 s7, $0x1;
	s7 =	sadd.s32 s21, s5  }
0x9f: {  	[timem:s9], [sflag:s22] =	dma.local [hbm:s7], s20  }
0xa0: {  	_ =	swait.ge [sflag:s22], s20  }
0xa1: {  	s6 =	ssub.s32 $0x0, s20;
	[sflag:s22] =	ssyncset.done $0x0  }
0xa2: {  	[sflag:s22] =	ssyncadd.s32 s6;
	_ =	sdelay $0x1  }
0xa3: {  	s23 =	simm.s32 $0x1B8B  }
0xa4: {  	_ =	swait.ge [sflag:s23], $0x1  }
0xa5: {  	[sflag:s23] =	ssyncset.done $0x0  }
0xa6: {  	s25 =	simm.s32 $0x1B8E;
	s24 =	sld [smem:$0x3FFE];
	[sflag:s23] =	ssyncadd.s32 $0xFFFFFFFF  }
0xa7: {  	s26 =	simm.s32 $execute0_lowered;
	[smem:$0x3FD2] =	sst s25  }
0xa8: {  	s7 =	sshll.u32 s26, $0x1;
	_ =	strace $0x80000046;
	[dreg:$0x1] =	wrdreg $0xFFFFFFFF  }
0xa9: {  	s28 =	simm.s32 $_size_execute0_lowered;
	s5 =	sadd.s32 s5, s7;
	[dreg:$0x0] =	wrdreg $0x0  }
0xaa: {  	s7 =	sshll.u32 s28, $0x1;
	[dreg:$0x2] =	wrdreg s5  }
0xab: {  	[dreg:$0x3] =	wrdreg s7  }
0xac: {  	[dreg:$0x4] =	wrdreg $0xC0  }
0xad: {  	_ =	task [dreg:s9], $0x5FFFF  }
0xae: {  	[dreg:$0x1] =	wrdreg $0xFFFFFFFF  }
0xaf: {  	[dreg:$0x0] =	wrdreg $0x60  }
0xb0: {  	[dreg:$0x2] =	wrdreg s24  }
0xb1: {  	[dreg:$0x3] =	wrdreg s18  }
0xb2: {  	[dreg:$0x4] =	wrdreg s2  }
0xb3: {  	[dreg:$0x5] =	wrdreg s4  }
0xb4: {  	[dreg:$0x6] =	wrdreg $0x9  }
0xb5: {  	_ =	task.clear_ibuf [dreg:s9], $0x7FFFF;
	_ =	strace $0x90000046  }
0xb6: {  	s29 =	simm.s32 $0x9;
	_ =	strace $0x80000048  }
0xb7: {  	_ =	swait.ge [sflag:s29], $0x1  }
0xb8: {  	[sflag:s29] =	ssyncadd.s32 $0xFFFFFFFF  }
0xb9: {  	_ =	strace $0x90000048  }
0xba: {  	_ =	sfence  }
0xbb: {  	s30 =	sld [smem:$0x0];
	_ =	sdelay $0x2  }
0xbc: {  	s31 =	sshll.u32 s1, $0xD;
	s1 =	sshrl.u32 s1, $0x2  }
0xbd: {  	s3 =	sand.u32 $0x4000, s31;
	s1 =	sadd.s32 s1, s30  }
0xbe: {  	s0 =	sor.u32 s3, s0;
	s1 =	sshll.u32 s1, $0x11  }
0xbf: {  	s0 =	sor.u32 s1, s0  }
0xc0: {  	s0 =	sadd.s32 $0x8F2B, s0  }
0xc1: {  	[sflag:s0] =	ssyncadd.remote.s32 $0x1  }
0xc2: {  	_ =	sfence.sel $0xFFFF  }
0xc3: {  	[dreg:$0x0] =	wrdreg $0xFFFFFFFF;
	(pc) =	sbr.abs _section_cstart, $3  }
0xc4: {  	[dreg:$0x1] =	wrdreg $0xFFFFFFFF  }
0xc5: {  	_ =	task.clear_ibuf [dreg:s9], $0x2FFFF;
	_ =	strace $0x9FFFFFFF  }
0xc6: {  	(tm) =	ssettm $0x7FFFFFFF  }
0xc7: {  	_ =	shalt  }
tec
execute0_lowered:
.L_overlay_start_1:
0x0: {  	(tag) =	ssettag $0x1  }
0x1: {  	v2 =	vlaneseq.u32;
	v3 =	vimm.s32 $0xEFCDAB89  }
0x2: {  	vm0 =	vcmask $0xB08;
	vm1 =	vcmask $0x300;
	v4 =	vimm.s32 $0x67452301  }
0x3: {  	v5 =	vimm.s32 $0xDCFE98BA;
	v6 =	vimm.s32 $0x54761032;
	vm2 =	vcmask $0x3330  }
0x4: {  	vm3 =	vcmask $0x700;
	v7 =	vimm.s32 $0xFEDCBA98;
	v8 =	vimm.s32 $0x76543210  }
0x5: {  	vm4 =	vcmask $0xF00;
	v9 =	vimm.s32 $0x2;
	v10 =	vimm.s32 $0x3  }
0x6: {  	v11 =	vimm.s32 $0x4;
	v12 =	vimm.s32 $0x5;
	v13 =	vimm.s32 $0x6  }
0x7: {  	v14 =	vimm.s32 $0x7;
	v15 =	vimm.s32 $0x8;
	v16 =	vimm.s32 $0x9  }
0x8: {  	v17 =	vimm.s32 $0xA;
	v18 =	vimm.s32 $0xB;
	v19 =	vimm.s32 $0xC  }
0x9: {  	v20 =	vimm.s32 $0xD;
	v21 =	vimm.s32 $0xE;
	v22 =	vimm.s32 $0xF  }
0xa: {  	v1 =	vshrl.u32 v2, $0x3;
	v0 =	vand.u32 $0x7, v2;
	v3 =	vunpack.c.l.s4.s8 v3  }
0xb: {  	vm0 =	vmor vm1, vm0;
	vm1 =	vcmask $0x1310;
	v4 =	vunpack.c.l.s4.s8 v4  }
0xc: {  	v5 =	vunpack.c.l.s4.s8 v5;
	v6 =	vunpack.c.l.s4.s8 v6;
	v2 =	vor.u32 $0x8, v2  }
0xd: {  	v7 =	vunpack.c.l.s4.s8 v7;
	vm0 =	vmor vm0, vm1;
	vm1 =	vcmask $0x1B18  }
0xe: {  	s0 =	rddreg [dreg:$0x0];
	v3 =	vunpack.c.0.s8.s32 v3;
	vm0 =	vmor vm0, vm1;
	vm1 =	vcmask $0x2320  }
0xf: {  	s1 =	srdreg.scid;
	s2 =	rddreg [dreg:$0x2];
	v4 =	vunpack.c.0.s8.s32 v4;
	vm0 =	vmor vm0, vm1;
	vm1 =	vcmask $0x2B28  }
0x10: {  	s4 =	stileid.u32;
	s3 =	rddreg [dreg:$0x3];
	v8 =	vunpack.c.l.s4.s8 v8;
	v1 =	vmul.u32 $0x8, v1;
	vm1 =	vmor vm0, vm1  }
0x11: {  	s28 =	simm.s32 $0x5900;
	s29 =	simm.s32 $0x6100;
	s30 =	simm.s32 $0x6900;
	v3 =	vcombine.low v4, v3;
	v4 =	vunpack.c.0.s8.s32 v5;
	v5 =	vunpack.c.0.s8.s32 v6  }
0x12: {  	s31 =	simm.s32 $0x7100;
	s1 =	sand.u32 $0x1, s1;
	s4 =	sshll.u32 s4, $0x9;
	v6 =	vimm.s32 $0x32107654;
	vm1 =	vmor vm1, vm2;
	vm2 =	vcmask $0x3B38  }
0x13: {  	s7 =	sadd.s32 $0x200, s2;
	s8 =	sadd.s32 $0x300, s2;
	s9 =	sadd.s32 $0x400, s2;
	v6 =	vunpack.c.l.s4.s8 v6;
	v4 =	vcombine.low v5, v4;
	v5 =	vimm.s32 $0xBA98FEDC  }
0x14: {  	s10 =	sadd.s32 $0x500, s2;
	s11 =	sadd.s32 $0x600, s2;
	s5 =	sshll.u32 s1, $0x8;
	vm1 =	vmor vm1, vm2;
	vm2 =	vcmask $0x1710;
	v5 =	vunpack.c.l.s4.s8 v5  }
0x15: {  	s12 =	sadd.s32 $0x700, s2;
	s1 =	ssub.s32 $0x2, s1;
	s5 =	sor.u32 s5, s4;
	vm2 =	vmor vm3, vm2;
	vm3 =	vcmask $0x2720;
	v6 =	vunpack.c.0.s8.s32 v6  }
0x16: {  	s4 =	simm.s32 $0x0;
	s24 =	sshrl.u32 s1, $0x1;
	s6 =	sshrl.u32 s5, $0x3;
	vm2 =	vmor vm2, vm3;
	vm3 =	vcmask $0x3730;
	v5 =	vunpack.c.0.s8.s32 v5  }
0x17: {  	[smem:$0x7FF] =	sst s4;
	s1 =	ssub.s32 s1, s24;
	s25 =	sshll.u32 s5, $0x8;
	vm0 =	vmmov $0xffff;
	v3 =	vand.u32 $0xF, v3;
	vm2 =	vmor vm2, vm3  }
0x18: {  	s0 =	sadd.s32 s6, s0;
	_ =	strace $0x80000047;
	s6 =	sadd.s32 $0x100, s2;
	vm3 =	vcmask $0x2F20;
	v5 =	vcombine.low v6, v5;
	v6 =	vunpack.c.0.s8.s32 v7  }
0x19: {  	s13 =	sadd.s32 s3, s25;
	s26 =	smax.u32 s1, $0x1;
	s3 =	simm.s32 $0x7900;
	v4 =	vand.u32 $0xF, v4;
	vm3 =	vmor vm4, vm3;
	v7 =	vunpack.c.0.s8.s32 v8  }
0x1a: {  	s1 =	simm.s32 $0x0;
	s0 =	sadd.s32 $0x400, s0;
	[dreg:$0x6] =	wrdreg s26;
	vm4 =	vmmov $0xff;
	v8 =	vimm.s32 $0x0;
	v6 =	vand.u32 $0xF, v6  }
0x1b: {  	s26 =	simm.s32 $0x5100;
	[dreg:$0x5] =	wrdreg s0;
	s0 =	simm.s32 $0x8100;
	v5 =	vand.u32 $0xF, v5;
	v6 =	vcombine.low v6, v7;
	v7 =	vimm.s32 $0x1  }
.LBB2_1:
0x1c: {  	s5 =	rddreg [dreg:$0x5];
	s14 =	simm.s32 $0x7  }
0x1d: {  	[tilespmem:s4], [sflag:$0x7] =	stream.linear.gather [hbm4b:s5+s4], $0x100, $0x38;
	[tilespmem:$0x18900] =	vst v63  }
0x1e: {  	_ =	swait.ge [sflag:s14], $0x100  }
0x1f: {  	[sflag:s14] =	ssyncset.done $0x0  }
0x20: {  	[sflag:s14] =	ssyncadd.s32 $0xFFFFFF00  }
0x21: {  	s15 =	simm.s32 $0x100;
	s16 =	rddreg [dreg:$0x1]  }
0x22: {  	[tilespmem:s15], [sflag:$0x7] =	stream.linear.gather [hbm4b:s16+s4], $0x800, $0x38;
	[tilespmem:$0x18900] =	vst v63  }
0x23: {  	_ =	swait.ge [sflag:s14], $0x800  }
0x24: {  	[sflag:s14] =	ssyncset.done $0x0  }
0x25: {  	[sflag:s14] =	ssyncadd.s32 $0xFFFFF800  }
0x26: {  	v23 =	vld [tilespmem:$0x0];
	_ =	sdelay $0x4  }
0x27: {  	v24 =	vshll.u32 v23, $0x4  }
0x28: {  	v23 =	vand.u32 $0x7, v23;
	v24 =	vand.u32 $0xFFFFFF80, v24  }
0x29: {  	v23 =	vor.u32 v23, v24  }
0x2a: {  	v24 =	vperm.xlane v23, v0;
	_ =	sdelay $0x1  }
0x2b: {  	v24 =	vadd.s32 v1, v24;
	_ =	sdelay $0x3  }
0x2c: {  	s17 =	simm.s32 $0x900  }
0x2d: {  	[tilespmem:s17], [sflag:$0x1] =	stream.indirect_vreg.gather [hbm4b:s2+s4], $0x80, v24, vm0, $0xb8;
	[tilespmem:$0x18900] =	vst v63  }
0x2e: {  	s18 =	simm.s32 $0x1100  }
0x2f: {  	[tilespmem:s18], [sflag:$0x1] =	stream.indirect_vreg.gather [hbm4b:s6+s4], $0x80, v24, vm0, $0xb8;
	[tilespmem:$0x18900] =	vst v63  }
0x30: {  	s19 =	simm.s32 $0x1900  }
0x31: {  	[tilespmem:s19], [sflag:$0x1] =	stream.indirect_vreg.gather [hbm4b:s7+s4], $0x80, v24, vm0, $0xb8;
	[tilespmem:$0x18900] =	vst v63  }
0x32: {  	s20 =	simm.s32 $0x2100  }
0x33: {  	[tilespmem:s20], [sflag:$0x1] =	stream.indirect_vreg.gather [hbm4b:s8+s4], $0x80, v24, vm0, $0xb8;
	[tilespmem:$0x18900] =	vst v63  }
0x34: {  	s21 =	simm.s32 $0x2900  }
0x35: {  	[tilespmem:s21], [sflag:$0x1] =	stream.indirect_vreg.gather [hbm4b:s9+s4], $0x80, v24, vm0, $0xb8;
	[tilespmem:$0x18900] =	vst v63  }
0x36: {  	s22 =	simm.s32 $0x3100;
	v23 =	vperm.xlane v23, v2  }
0x37: {  	[tilespmem:s22], [sflag:$0x1] =	stream.indirect_vreg.gather [hbm4b:s10+s4], $0x80, v24, vm0, $0xb8;
	[tilespmem:$0x18900] =	vst v63  }
0x38: {  	s23 =	simm.s32 $0x3900;
	v23 =	vadd.s32 v1, v23  }
0x39: {  	[tilespmem:s23], [sflag:$0x1] =	stream.indirect_vreg.gather [hbm4b:s11+s4], $0x80, v24, vm0, $0xb8;
	[tilespmem:$0x18900] =	vst v63  }
0x3a: {  	s24 =	simm.s32 $0x4100  }
0x3b: {  	[tilespmem:s24], [sflag:$0x1] =	stream.indirect_vreg.gather [hbm4b:s12+s4], $0x80, v24, vm0, $0xb8;
	[tilespmem:$0x18900] =	vst v63  }
0x3c: {  	s25 =	simm.s32 $0x4900  }
0x3d: {  	[tilespmem:s25], [sflag:$0x1] =	stream.indirect_vreg.gather [hbm4b:s2+s4], $0x80, v23, vm0, $0xb8;
	[tilespmem:$0x18900] =	vst v63  }
0x3e: {  	_ = 	snop  }
0x3f: {  	[tilespmem:s26], [sflag:$0x1] =	stream.indirect_vreg.gather [hbm4b:s6+s4], $0x80, v23, vm0, $0xb8;
	[tilespmem:$0x18900] =	vst v63  }
0x40: {  	_ = 	snop  }
0x41: {  	[tilespmem:s28], [sflag:$0x1] =	stream.indirect_vreg.gather [hbm4b:s7+s4], $0x80, v23, vm0, $0xb8;
	[tilespmem:$0x18900] =	vst v63  }
0x42: {  	_ = 	snop  }
0x43: {  	[tilespmem:s29], [sflag:$0x1] =	stream.indirect_vreg.gather [hbm4b:s8+s4], $0x80, v23, vm0, $0xb8;
	[tilespmem:$0x18900] =	vst v63  }
0x44: {  	_ = 	snop  }
0x45: {  	[tilespmem:s30], [sflag:$0x1] =	stream.indirect_vreg.gather [hbm4b:s9+s4], $0x80, v23, vm0, $0xb8;
	[tilespmem:$0x18900] =	vst v63  }
0x46: {  	_ = 	snop  }
0x47: {  	[tilespmem:s31], [sflag:$0x1] =	stream.indirect_vreg.gather [hbm4b:s10+s4], $0x80, v23, vm0, $0xb8;
	[tilespmem:$0x18900] =	vst v63  }
0x48: {  	_ = 	snop  }
0x49: {  	[tilespmem:s3], [sflag:$0x1] =	stream.indirect_vreg.gather [hbm4b:s11+s4], $0x80, v23, vm0, $0xb8;
	[tilespmem:$0x18900] =	vst v63  }
0x4a: {  	s16 =	simm.s32 $0x0  }
0x4b: {  	[tilespmem:s0], [sflag:$0x1] =	stream.indirect_vreg.gather [hbm4b:s12+s4], $0x80, v23, vm0, $0xb8;
	[tilespmem:$0x18900] =	vst v63  }
.LBB2_2:
0x4c: {  	s5 =	smul.u32 $0xAB, s16;
	_ =	sdelay $0x1  }
0x4d: {  	s5 =	sshrl.u32 s5, $0x9  }
0x4e: {  	s5 =	sand.u32 $0x7F, s5  }
0x4f: {  	s5 =	smul.u32 $0x3, s5;
	_ =	sdelay $0x1  }
0x50: {  	s5 =	ssub.s32 s16, s5  }
0x51: {  	s15 =	sand.u32 $0xFF, s5  }
0x52: {  	p0 =	seq.s32 s15, $0x1  }
.Ltmp0:
0x53: {  	_ = 	snop;
	(pc) =	sbr.rel @p0 .LBB2_7-.Ltmp0, $1  }
0x54: {  	_ =	sdelay $0x3  }
0x55: {  	p0 =	sne.s32 s15, $0x0  }
.Ltmp1:
0x56: {  	_ = 	snop;
	(pc) =	sbr.rel @p0 .LBB2_10-.Ltmp1, $2  }
0x57: {  	_ =	sdelay $0x2  }
0x58: {  	p2 =	slt.u32 s16, $0x2  }
0x59: {  	p0 =	seq.s32 @!p2 s16, $0xF  }
0x5a: {  	p0 =	por p2, !p0  }
.Ltmp2:
0x5b: {  	_ = 	snop;
	(pc) =	sbr.rel @p0 .LBB2_6-.Ltmp2, $4  }
0x5c: {  	s5 =	simm.s32 @!p2 $0x5  }
0x5d: {  	_ =	swait.ge @!p2 [sflag:s5], $0x8000  }
0x5e: {  	[sflag:s5] =	ssyncset.done @!p2 $0x0  }
0x5f: {  	[sflag:s5] =	ssyncadd.s32 @!p2 $0xFFFF8000  }
.Ltmp3:
0x60: {  	(pc) =	sbr.rel .LBB2_13-.Ltmp3, $3  }
0x61: {  	_ =	sdelay $0x1  }
0x62: {  	p0 =	por @!p2 $0x0, $0x0  }
0x63: {  	s17 =	simm.s32 @!p2 $0x1;
	p1 =	por p0, p0  }
.LBB2_7:
0x64: {  	p2 =	slt.u32 s16, $0x2  }
0x65: {  	p0 =	seq.s32 @!p2 s16, $0xF  }
0x66: {  	p0 =	por p2, !p0  }
.Ltmp4:
0x67: {  	_ = 	snop;
	(pc) =	sbr.rel @p0 .LBB2_9-.Ltmp4, $4  }
0x68: {  	s5 =	simm.s32 @!p2 $0x6  }
0x69: {  	_ =	swait.ge @!p2 [sflag:s5], $0x8000  }
0x6a: {  	[sflag:s5] =	ssyncset.done @!p2 $0x0  }
0x6b: {  	[sflag:s5] =	ssyncadd.s32 @!p2 $0xFFFF8000  }
.Ltmp5:
0x6c: {  	(pc) =	sbr.rel .LBB2_13-.Ltmp5, $2  }
0x6d: {  	_ =	sdelay $0x2  }
0x6e: {  	p1 =	por @!p2 $0x1, $0x1;
	p0 =	por @!p2 $0x0, $0x0;
	s17 =	simm.s32 @!p2 $0x2  }
.LBB2_10:
0x6f: {  	p0 =	seq.s32 @!p2 s16, $0xF  }
0x70: {  	p0 =	por p2, !p0  }
.Ltmp6:
0x71: {  	_ = 	snop;
	(pc) =	sbr.rel @p0 .LBB2_12-.Ltmp6, $4  }
0x72: {  	s5 =	simm.s32 @!p2 $0x4  }
0x73: {  	_ =	swait.ge @!p2 [sflag:s5], $0x8000  }
0x74: {  	[sflag:s5] =	ssyncset.done @!p2 $0x0  }
0x75: {  	[sflag:s5] =	ssyncadd.s32 @!p2 $0xFFFF8000  }
.Ltmp7:
0x76: {  	(pc) =	sbr.rel .LBB2_13-.Ltmp7, $2  }
0x77: {  	_ =	sdelay $0x2  }
0x78: {  	p1 =	por @!p2 $0x0, $0x0;
	p0 =	por @!p2 $0x1, $0x1;
	s17 =	simm.s32 @!p2 $0x3  }
.LBB2_6:
0x79: {  	s5 =	sshll.u32 s16, $0x4  }
0x7a: {  	s5 =	sand.u32 $0x3FFFFFF0, s5  }
0x7b: {  	v23 =	vld [tilespmem:s5+$0x10];
	_ =	sdelay $0x4  }
0x7c: {  	v24 =	vshll.u32 v23, $0x4  }
0x7d: {  	v23 =	vand.u32 $0x7, v23;
	v24 =	vand.u32 $0xFFFFFF80, v24  }
0x7e: {  	v23 =	vor.u32 v23, v24  }
0x7f: {  	v24 =	vperm.xlane v23, v0;
	_ =	sdelay $0x1  }
0x80: {  	v24 =	vadd.s32 v1, v24;
	_ =	sdelay $0x3  }
0x81: {  	s20 =	simm.s32 $0x8900  }
0x82: {  	[tilespmem:s20], [sflag:$0x2] =	stream.indirect_vreg.gather [hbm4b:s2+s4], $0x80, v24, vm0, $0xb8;
	[tilespmem:$0x18900] =	vst v63  }
0x83: {  	s21 =	simm.s32 $0x9100  }
0x84: {  	[tilespmem:s21], [sflag:$0x2] =	stream.indirect_vreg.gather [hbm4b:s6+s4], $0x80, v24, vm0, $0xb8;
	[tilespmem:$0x18900] =	vst v63  }
0x85: {  	s22 =	simm.s32 $0x9900  }
0x86: {  	[tilespmem:s22], [sflag:$0x2] =	stream.indirect_vreg.gather [hbm4b:s7+s4], $0x80, v24, vm0, $0xb8;
	[tilespmem:$0x18900] =	vst v63  }
0x87: {  	s23 =	simm.s32 $0xA100  }
0x88: {  	[tilespmem:s23], [sflag:$0x2] =	stream.indirect_vreg.gather [hbm4b:s8+s4], $0x80, v24, vm0, $0xb8;
	[tilespmem:$0x18900] =	vst v63  }
0x89: {  	s24 =	simm.s32 $0xA900  }
0x8a: {  	[tilespmem:s24], [sflag:$0x2] =	stream.indirect_vreg.gather [hbm4b:s9+s4], $0x80, v24, vm0, $0xb8;
	[tilespmem:$0x18900] =	vst v63  }
0x8b: {  	s25 =	simm.s32 $0xB100;
	v23 =	vperm.xlane v23, v2  }
0x8c: {  	[tilespmem:s25], [sflag:$0x2] =	stream.indirect_vreg.gather [hbm4b:s10+s4], $0x80, v24, vm0, $0xb8;
	[tilespmem:$0x18900] =	vst v63  }
0x8d: {  	s14 =	simm.s32 $0xB900;
	v23 =	vadd.s32 v1, v23  }
0x8e: {  	[tilespmem:s14], [sflag:$0x2] =	stream.indirect_vreg.gather [hbm4b:s11+s4], $0x80, v24, vm0, $0xb8;
	[tilespmem:$0x18900] =	vst v63  }
0x8f: {  	s17 =	simm.s32 $0xC100  }
0x90: {  	[tilespmem:s17], [sflag:$0x2] =	stream.indirect_vreg.gather [hbm4b:s12+s4], $0x80, v24, vm0, $0xb8;
	[tilespmem:$0x18900] =	vst v63  }
0x91: {  	s18 =	simm.s32 $0xC900  }
0x92: {  	[tilespmem:s18], [sflag:$0x2] =	stream.indirect_vreg.gather [hbm4b:s2+s4], $0x80, v23, vm0, $0xb8;
	[tilespmem:$0x18900] =	vst v63  }
0x93: {  	s19 =	simm.s32 $0xD100  }
0x94: {  	[tilespmem:s19], [sflag:$0x2] =	stream.indirect_vreg.gather [hbm4b:s6+s4], $0x80, v23, vm0, $0xb8;
	[tilespmem:$0x18900] =	vst v63  }
0x95: {  	s20 =	simm.s32 $0xD900  }
0x96: {  	[tilespmem:s20], [sflag:$0x2] =	stream.indirect_vreg.gather [hbm4b:s7+s4], $0x80, v23, vm0, $0xb8;
	[tilespmem:$0x18900] =	vst v63  }
0x97: {  	s21 =	simm.s32 $0xE100  }
0x98: {  	[tilespmem:s21], [sflag:$0x2] =	stream.indirect_vreg.gather [hbm4b:s8+s4], $0x80, v23, vm0, $0xb8;
	[tilespmem:$0x18900] =	vst v63  }
0x99: {  	s22 =	simm.s32 $0xE900  }
0x9a: {  	[tilespmem:s22], [sflag:$0x2] =	stream.indirect_vreg.gather [hbm4b:s9+s4], $0x80, v23, vm0, $0xb8;
	[tilespmem:$0x18900] =	vst v63  }
0x9b: {  	s23 =	simm.s32 $0xF100  }
0x9c: {  	[tilespmem:s23], [sflag:$0x2] =	stream.indirect_vreg.gather [hbm4b:s10+s4], $0x80, v23, vm0, $0xb8;
	[tilespmem:$0x18900] =	vst v63  }
.Ltmp8:
0x9d: {  	_ = 	snop;
	(pc) =	sbr.rel .LBB2_13-.Ltmp8, $4  }
0x9e: {  	p0 =	por $0x0, $0x0;
	s24 =	simm.s32 $0xF900  }
0x9f: {  	[tilespmem:s24], [sflag:$0x2] =	stream.indirect_vreg.gather [hbm4b:s11+s4], $0x80, v23, vm0, $0xb8;
	[tilespmem:$0x18900] =	vst v63  }
0xa0: {  	p1 =	por $0x0, $0x0;
	s25 =	simm.s32 $0x10100;
	s17 =	simm.s32 $0x1  }
0xa1: {  	[tilespmem:s25], [sflag:$0x2] =	stream.indirect_vreg.gather [hbm4b:s12+s4], $0x80, v23, vm0, $0xb8;
	[tilespmem:$0x18900] =	vst v63  }
.LBB2_9:
0xa2: {  	s5 =	sshll.u32 s16, $0x4  }
0xa3: {  	s5 =	sand.u32 $0x3FFFFFF0, s5  }
0xa4: {  	v23 =	vld [tilespmem:s5+$0x10];
	_ =	sdelay $0x4  }
0xa5: {  	v24 =	vshll.u32 v23, $0x4  }
0xa6: {  	v23 =	vand.u32 $0x7, v23;
	v24 =	vand.u32 $0xFFFFFF80, v24  }
0xa7: {  	v23 =	vor.u32 v23, v24  }
0xa8: {  	v24 =	vperm.xlane v23, v0;
	_ =	sdelay $0x1  }
0xa9: {  	v24 =	vadd.s32 v1, v24;
	_ =	sdelay $0x3  }
0xaa: {  	s20 =	simm.s32 $0x10900  }
0xab: {  	[tilespmem:s20], [sflag:$0x3] =	stream.indirect_vreg.gather [hbm4b:s2+s4], $0x80, v24, vm0, $0xb8;
	[tilespmem:$0x18900] =	vst v63  }
0xac: {  	s21 =	simm.s32 $0x11100  }
0xad: {  	[tilespmem:s21], [sflag:$0x3] =	stream.indirect_vreg.gather [hbm4b:s6+s4], $0x80, v24, vm0, $0xb8;
	[tilespmem:$0x18900] =	vst v63  }
0xae: {  	s22 =	simm.s32 $0x11900  }
0xaf: {  	[tilespmem:s22], [sflag:$0x3] =	stream.indirect_vreg.gather [hbm4b:s7+s4], $0x80, v24, vm0, $0xb8;
	[tilespmem:$0x18900] =	vst v63  }
0xb0: {  	s23 =	simm.s32 $0x12100  }
0xb1: {  	[tilespmem:s23], [sflag:$0x3] =	stream.indirect_vreg.gather [hbm4b:s8+s4], $0x80, v24, vm0, $0xb8;
	[tilespmem:$0x18900] =	vst v63  }
0xb2: {  	s24 =	simm.s32 $0x12900  }
0xb3: {  	[tilespmem:s24], [sflag:$0x3] =	stream.indirect_vreg.gather [hbm4b:s9+s4], $0x80, v24, vm0, $0xb8;
	[tilespmem:$0x18900] =	vst v63  }
0xb4: {  	s25 =	simm.s32 $0x13100;
	v23 =	vperm.xlane v23, v2  }
0xb5: {  	[tilespmem:s25], [sflag:$0x3] =	stream.indirect_vreg.gather [hbm4b:s10+s4], $0x80, v24, vm0, $0xb8;
	[tilespmem:$0x18900] =	vst v63  }
0xb6: {  	s14 =	simm.s32 $0x13900;
	v23 =	vadd.s32 v1, v23  }
0xb7: {  	[tilespmem:s14], [sflag:$0x3] =	stream.indirect_vreg.gather [hbm4b:s11+s4], $0x80, v24, vm0, $0xb8;
	[tilespmem:$0x18900] =	vst v63  }
0xb8: {  	s17 =	simm.s32 $0x14100  }
0xb9: {  	[tilespmem:s17], [sflag:$0x3] =	stream.indirect_vreg.gather [hbm4b:s12+s4], $0x80, v24, vm0, $0xb8;
	[tilespmem:$0x18900] =	vst v63  }
0xba: {  	s18 =	simm.s32 $0x14900  }
0xbb: {  	[tilespmem:s18], [sflag:$0x3] =	stream.indirect_vreg.gather [hbm4b:s2+s4], $0x80, v23, vm0, $0xb8;
	[tilespmem:$0x18900] =	vst v63  }
0xbc: {  	s19 =	simm.s32 $0x15100  }
0xbd: {  	[tilespmem:s19], [sflag:$0x3] =	stream.indirect_vreg.gather [hbm4b:s6+s4], $0x80, v23, vm0, $0xb8;
	[tilespmem:$0x18900] =	vst v63  }
0xbe: {  	s20 =	simm.s32 $0x15900  }
0xbf: {  	[tilespmem:s20], [sflag:$0x3] =	stream.indirect_vreg.gather [hbm4b:s7+s4], $0x80, v23, vm0, $0xb8;
	[tilespmem:$0x18900] =	vst v63  }
0xc0: {  	s21 =	simm.s32 $0x16100  }
0xc1: {  	[tilespmem:s21], [sflag:$0x3] =	stream.indirect_vreg.gather [hbm4b:s8+s4], $0x80, v23, vm0, $0xb8;
	[tilespmem:$0x18900] =	vst v63  }
0xc2: {  	s22 =	simm.s32 $0x16900  }
0xc3: {  	[tilespmem:s22], [sflag:$0x3] =	stream.indirect_vreg.gather [hbm4b:s9+s4], $0x80, v23, vm0, $0xb8;
	[tilespmem:$0x18900] =	vst v63  }
0xc4: {  	s23 =	simm.s32 $0x17100  }
0xc5: {  	[tilespmem:s23], [sflag:$0x3] =	stream.indirect_vreg.gather [hbm4b:s10+s4], $0x80, v23, vm0, $0xb8;
	[tilespmem:$0x18900] =	vst v63  }
.Ltmp9:
0xc6: {  	_ = 	snop;
	(pc) =	sbr.rel .LBB2_13-.Ltmp9, $4  }
0xc7: {  	p1 =	por $0x1, $0x1;
	s24 =	simm.s32 $0x17900  }
0xc8: {  	[tilespmem:s24], [sflag:$0x3] =	stream.indirect_vreg.gather [hbm4b:s11+s4], $0x80, v23, vm0, $0xb8;
	[tilespmem:$0x18900] =	vst v63  }
0xc9: {  	p0 =	por $0x0, $0x0;
	s25 =	simm.s32 $0x18100;
	s17 =	simm.s32 $0x2  }
0xca: {  	[tilespmem:s25], [sflag:$0x3] =	stream.indirect_vreg.gather [hbm4b:s12+s4], $0x80, v23, vm0, $0xb8;
	[tilespmem:$0x18900] =	vst v63  }
.LBB2_12:
0xcb: {  	s5 =	sshll.u32 s16, $0x4  }
0xcc: {  	s5 =	sand.u32 $0x3FFFFFF0, s5  }
0xcd: {  	v23 =	vld [tilespmem:s5+$0x10];
	_ =	sdelay $0x4  }
0xce: {  	v24 =	vshll.u32 v23, $0x4  }
0xcf: {  	v23 =	vand.u32 $0x7, v23;
	v24 =	vand.u32 $0xFFFFFF80, v24  }
0xd0: {  	v23 =	vor.u32 v23, v24  }
0xd1: {  	v24 =	vperm.xlane v23, v0;
	_ =	sdelay $0x1  }
0xd2: {  	v24 =	vadd.s32 v1, v24;
	_ =	sdelay $0x3  }
0xd3: {  	s17 =	simm.s32 $0x900  }
0xd4: {  	[tilespmem:s17], [sflag:$0x1] =	stream.indirect_vreg.gather [hbm4b:s2+s4], $0x80, v24, vm0, $0xb8;
	[tilespmem:$0x18900] =	vst v63  }
0xd5: {  	s18 =	simm.s32 $0x1100  }
0xd6: {  	[tilespmem:s18], [sflag:$0x1] =	stream.indirect_vreg.gather [hbm4b:s6+s4], $0x80, v24, vm0, $0xb8;
	[tilespmem:$0x18900] =	vst v63  }
0xd7: {  	s19 =	simm.s32 $0x1900  }
0xd8: {  	[tilespmem:s19], [sflag:$0x1] =	stream.indirect_vreg.gather [hbm4b:s7+s4], $0x80, v24, vm0, $0xb8;
	[tilespmem:$0x18900] =	vst v63  }
0xd9: {  	s20 =	simm.s32 $0x2100  }
0xda: {  	[tilespmem:s20], [sflag:$0x1] =	stream.indirect_vreg.gather [hbm4b:s8+s4], $0x80, v24, vm0, $0xb8;
	[tilespmem:$0x18900] =	vst v63  }
0xdb: {  	s21 =	simm.s32 $0x2900  }
0xdc: {  	[tilespmem:s21], [sflag:$0x1] =	stream.indirect_vreg.gather [hbm4b:s9+s4], $0x80, v24, vm0, $0xb8;
	[tilespmem:$0x18900] =	vst v63  }
0xdd: {  	s22 =	simm.s32 $0x3100;
	v23 =	vperm.xlane v23, v2  }
0xde: {  	[tilespmem:s22], [sflag:$0x1] =	stream.indirect_vreg.gather [hbm4b:s10+s4], $0x80, v24, vm0, $0xb8;
	[tilespmem:$0x18900] =	vst v63  }
0xdf: {  	s23 =	simm.s32 $0x3900;
	v23 =	vadd.s32 v1, v23  }
0xe0: {  	[tilespmem:s23], [sflag:$0x1] =	stream.indirect_vreg.gather [hbm4b:s11+s4], $0x80, v24, vm0, $0xb8;
	[tilespmem:$0x18900] =	vst v63  }
0xe1: {  	s24 =	simm.s32 $0x4100  }
0xe2: {  	[tilespmem:s24], [sflag:$0x1] =	stream.indirect_vreg.gather [hbm4b:s12+s4], $0x80, v24, vm0, $0xb8;
	[tilespmem:$0x18900] =	vst v63  }
0xe3: {  	s25 =	simm.s32 $0x4900  }
0xe4: {  	[tilespmem:s25], [sflag:$0x1] =	stream.indirect_vreg.gather [hbm4b:s2+s4], $0x80, v23, vm0, $0xb8;
	[tilespmem:$0x18900] =	vst v63  }
0xe5: {  	_ = 	snop  }
0xe6: {  	[tilespmem:s26], [sflag:$0x1] =	stream.indirect_vreg.gather [hbm4b:s6+s4], $0x80, v23, vm0, $0xb8;
	[tilespmem:$0x18900] =	vst v63  }
0xe7: {  	_ = 	snop  }
0xe8: {  	[tilespmem:s28], [sflag:$0x1] =	stream.indirect_vreg.gather [hbm4b:s7+s4], $0x80, v23, vm0, $0xb8;
	[tilespmem:$0x18900] =	vst v63  }
0xe9: {  	_ = 	snop  }
0xea: {  	[tilespmem:s29], [sflag:$0x1] =	stream.indirect_vreg.gather [hbm4b:s8+s4], $0x80, v23, vm0, $0xb8;
	[tilespmem:$0x18900] =	vst v63  }
0xeb: {  	_ = 	snop  }
0xec: {  	[tilespmem:s30], [sflag:$0x1] =	stream.indirect_vreg.gather [hbm4b:s9+s4], $0x80, v23, vm0, $0xb8;
	[tilespmem:$0x18900] =	vst v63  }
0xed: {  	_ = 	snop  }
0xee: {  	[tilespmem:s31], [sflag:$0x1] =	stream.indirect_vreg.gather [hbm4b:s10+s4], $0x80, v23, vm0, $0xb8;
	[tilespmem:$0x18900] =	vst v63  }
0xef: {  	_ = 	snop  }
0xf0: {  	[tilespmem:s3], [sflag:$0x1] =	stream.indirect_vreg.gather [hbm4b:s11+s4], $0x80, v23, vm0, $0xb8;
	[tilespmem:$0x18900] =	vst v63  }
0xf1: {  	p1 =	por $0x0, $0x0;
	p0 =	por $0x1, $0x1;
	s17 =	simm.s32 $0x3  }
0xf2: {  	[tilespmem:s0], [sflag:$0x1] =	stream.indirect_vreg.gather [hbm4b:s12+s4], $0x80, v23, vm0, $0xb8;
	[tilespmem:$0x18900] =	vst v63  }
.LBB2_13:
0xf3: {  	_ =	swait.ge [sflag:s17], $0x8000;
	s5 =	sshll.u32 s15, $0xF;
	s18 =	simm.s32 $0x0  }
0xf4: {  	s14 =	simm.s32 $0x0;
	s5 =	sor.u32 $0x900, s5;
	s18 =	sand.u32 $0x3C00, s18  }
0xf5: {  	[sflag:s17] =	ssyncset.done $0x0;
	s19 =	sand.u32 $0x70, s14;
	s18 =	sadd.s32 s18, s5  }
0xf6: {  	[sflag:s17] =	ssyncadd.s32 $0xFFFF8000;
	s17 =	sadd.s32 s19, s18  }
0xf7: {  	v23 =	vld [tilespmem:s17+$0x4380]  }
0xf8: {  	v24 =	vld [tilespmem:s17+$0x0]  }
0xf9: {  	v25 =	vld [tilespmem:s17+$0x80]  }
0xfa: {  	v26 =	vld [tilespmem:s17+$0x100]  }
0xfb: {  	v27 =	vld [tilespmem:s17+$0x180]  }
0xfc: {  	v30 =	vld [tilespmem:s17+$0x280]  }
0xfd: {  	v31 =	vld [tilespmem:s17+$0x300]  }
0xfe: {  	v29 =	vimm.f32 $0.0e+00;
	v38 =	vimm.f32 $0.0e+00;
	v37 =	vimm.f32 $0.0e+00;
	v28 =	vld [tilespmem:s17+$0x200]  }
0xff: {  	v35 =	vimm.f32 $0.0e+00;
	v23 =	vmul.f32 v23, v23;
	v24 =	vmul.f32 v24, v24  }
0x100: {  	v36 =	vimm.f32 $0.0e+00;
	v25 =	vmul.f32 v25, v25;
	v32 =	vmul.f32 v26, v26  }
0x101: {  	v34 =	vimm.f32 $0.0e+00;
	v42 =	vld [tilespmem:s17+$0x380];
	v33 =	vmul.f32 v27, v27;
	v45 =	vmul.f32 v30, v30  }
0x102: {  	v39 =	vld [tilespmem:s17+$0x4000];
	v44 =	vmul.f32 v31, v31;
	v31 =	vimm.f32 $0.0e+00;
	v23 =	vadd.f32 v23, v29  }
0x103: {  	v40 =	vld [tilespmem:s17+$0x4080];
	v24 =	vadd.f32 v24, v29;
	v26 =	vadd.f32 v25, v29;
	v25 =	vmul.f32 v28, v28  }
0x104: {  	v41 =	vld [tilespmem:s17+$0x4100];
	v30 =	vimm.f32 $0.0e+00;
	v27 =	vadd.f32 v32, v29;
	v28 =	vadd.f32 v33, v29  }
0x105: {  	s18 =	simm.s32 $0x80;
	v43 =	vld [tilespmem:s17+$0x4180];
	v32 =	vimm.f32 $0.0e+00;
	v33 =	vimm.f32 $0.0e+00;
	v25 =	vadd.f32 v25, v29  }
.LBB2_14:
0x106: {  	s14 =	sadd.s32 $0x10, s14;
	s19 =	sand.u32 $0x3C00, s18;
	v29 =	vadd.f32 v45, v29;
	v42 =	vmul.f32 v42, v42;
	v45 =	vld [tilespmem:s17+$0x4200]  }
0x107: {  	s20 =	sand.u32 $0x70, s14;
	s19 =	sadd.s32 s19, s5;
	p2 =	slt.u32 s14, $0x7F0;
	v38 =	vadd.f32 v44, v38;
	v39 =	vmul.f32 v39, v39;
	v44 =	vld [tilespmem:s17+$0x4280]  }
0x108: {  	v37 =	vadd.f32 v42, v37;
	v40 =	vmul.f32 v40, v40;
	v42 =	vld [tilespmem:s17+$0x4300];
	s17 =	sadd.s32 s20, s19  }
0x109: {  	v46 =	vld [tilespmem:s17+$0x4380];
	v35 =	vadd.f32 v39, v35;
	v39 =	vmul.f32 v41, v41  }
0x10a: {  	v41 =	vld [tilespmem:s17+$0x0];
	v32 =	vadd.f32 v40, v32;
	v40 =	vmul.f32 v43, v43  }
0x10b: {  	v43 =	vld [tilespmem:s17+$0x80];
	v33 =	vadd.f32 v39, v33;
	v39 =	vmul.f32 v45, v45  }
0x10c: {  	v45 =	vld [tilespmem:s17+$0x100];
	v31 =	vadd.f32 v40, v31;
	v40 =	vmul.f32 v44, v44  }
0x10d: {  	v44 =	vld [tilespmem:s17+$0x180];
	v36 =	vadd.f32 v39, v36;
	v39 =	vmul.f32 v42, v42  }
0x10e: {  	v47 =	vld [tilespmem:s17+$0x200];
	v42 =	vmul.f32 v46, v46;
	v34 =	vadd.f32 v40, v34  }
0x10f: {  	v40 =	vmul.f32 v41, v41;
	v41 =	vld [tilespmem:s17+$0x280];
	v30 =	vadd.f32 v39, v30  }
0x110: {  	v39 =	vmul.f32 v43, v43;
	v43 =	vld [tilespmem:s17+$0x300];
	v23 =	vadd.f32 v42, v23  }
.Ltmp10:
0x111: {  	v24 =	vadd.f32 v40, v24;
	v40 =	vmul.f32 v45, v45;
	v42 =	vld [tilespmem:s17+$0x380];
	(pc) =	sbr.rel @p2 .LBB2_14-.Ltmp10, $4  }
0x112: {  	v26 =	vadd.f32 v39, v26;
	v44 =	vmul.f32 v44, v44;
	v39 =	vld [tilespmem:s17+$0x4000]  }
0x113: {  	v27 =	vadd.f32 v40, v27;
	v46 =	vmul.f32 v47, v47;
	v40 =	vld [tilespmem:s17+$0x4080]  }
0x114: {  	v28 =	vadd.f32 v44, v28;
	v45 =	vmul.f32 v41, v41;
	v41 =	vld [tilespmem:s17+$0x4100]  }
0x115: {  	s18 =	sadd.s32 $0x80, s18;
	v25 =	vadd.f32 v46, v25;
	v44 =	vmul.f32 v43, v43;
	v43 =	vld [tilespmem:s17+$0x4180]  }
0x116: {  	v42 =	vmul.f32 v42, v42  }
0x117: {  	v29 =	vadd.f32 v45, v29;
	v58 =	vperm.xlane v24, v3;
	v59 =	vperm.xlane v26, v3  }
0x118: {  	v60 =	vperm.xlane v27, v3;
	v61 =	vperm.xlane v28, v3;
	v24 =	vsel vm1, v24, v26  }
0x119: {  	v46 =	vld [tilespmem:s17+$0x4200];
	v27 =	vsel vm1, v27, v28;
	v38 =	vadd.f32 v44, v38;
	v39 =	vmul.f32 v39, v39  }
0x11a: {  	v47 =	vld [tilespmem:s17+$0x4280];
	v62 =	vperm.xlane v25, v3;
	v37 =	vadd.f32 v42, v37;
	v40 =	vmul.f32 v40, v40  }
0x11b: {  	v48 =	vld [tilespmem:s17+$0x4300];
	v26 =	vsel vm1, v58, v59;
	v28 =	vsel vm1, v60, v61;
	v63 =	vperm.xlane v29, v3  }
0x11c: {  	v25 =	vsel vm1, v25, v29;
	v41 =	vmul.f32 v41, v41;
	v35 =	vadd.f32 v39, v35  }
0x11d: {  	v24 =	vadd.f32 v26, v24;
	v26 =	vadd.f32 v28, v27;
	v28 =	vperm.xlane v38, v3  }
0x11e: {  	v54 =	vmul.f32 v43, v43;
	v32 =	vadd.f32 v40, v32;
	v27 =	vsel vm1, v62, v63  }
0x11f: {  	v29 =	vperm.xlane v37, v3;
	v37 =	vsel vm1, v38, v37;
	v55 =	vmul.f32 v46, v46  }
0x120: {  	v33 =	vadd.f32 v41, v33;
	v56 =	vmul.f32 v47, v47;
	v57 =	vmul.f32 v48, v48  }
0x121: {  	v25 =	vadd.f32 v27, v25;
	v27 =	vperm.xlane v35, v3;
	v48 =	vperm.xlane v23, v3  }
0x122: {  	v31 =	vadd.f32 v54, v31;
	v43 =	vperm.xlane v32, v3;
	v28 =	vsel vm1, v28, v29  }
0x123: {  	v29 =	vsel vm1, v35, v32;
	v36 =	vadd.f32 v55, v36;
	v34 =	vadd.f32 v56, v34  }
0x124: {  	v44 =	vperm.xlane v33, v3;
	v27 =	vsel vm1, v27, v43;
	v45 =	vperm.xlane v31, v3  }
0x125: {  	v49 =	vperm.xlane v26, v4;
	v30 =	vadd.f32 v57, v30;
	v27 =	vadd.f32 v27, v29  }
0x126: {  	v29 =	vsel vm1, v33, v31;
	v46 =	vperm.xlane v36, v3;
	v31 =	vsel vm1, v44, v45  }
0x127: {  	v47 =	vperm.xlane v34, v3;
	v29 =	vadd.f32 v31, v29;
	v31 =	vperm.xlane v30, v3  }
0x128: {  	v28 =	vadd.f32 v28, v37;
	v34 =	vsel vm1, v36, v34;
	v23 =	vsel vm1, v30, v23  }
0x129: {  	v32 =	vsel vm1, v46, v47;
	v30 =	vsel vm1, v31, v48;
	v31 =	vperm.xlane v24, v4  }
0x12a: {  	v32 =	vadd.f32 v32, v34;
	v24 =	vsel vm2, v24, v26;
	v23 =	vadd.f32 v30, v23  }
0x12b: {  	v30 =	vperm.xlane v25, v4;
	v26 =	vsel vm2, v31, v49;
	v31 =	vperm.xlane v28, v4  }
0x12c: {  	v50 =	vperm.xlane v29, v4;
	v25 =	vsel vm2, v25, v28;
	v28 =	vperm.xlane v27, v4  }
0x12d: {  	v51 =	vperm.xlane v23, v4;
	v30 =	vsel vm2, v30, v31;
	v31 =	vperm.xlane v32, v4  }
0x12e: {  	v24 =	vadd.f32 v26, v24;
	v26 =	vsel vm2, v27, v29;
	v23 =	vsel vm2, v32, v23  }
0x12f: {  	v27 =	vsel vm2, v28, v50;
	v25 =	vadd.f32 v30, v25;
	v28 =	vsel vm2, v31, v51  }
0x130: {  	v26 =	vadd.f32 v27, v26;
	v23 =	vadd.f32 v28, v23  }
0x131: {  	v27 =	vperm.xlane v24, v5;
	v28 =	vperm.xlane v25, v5  }
0x132: {  	v29 =	vperm.xlane v26, v5;
	v30 =	vperm.xlane v23, v5  }
0x133: {  	v24 =	vsel vm3, v24, v25  }
0x134: {  	v25 =	vsel vm3, v27, v28;
	v23 =	vsel vm3, v26, v23;
	v26 =	vsel vm3, v29, v30  }
0x135: {  	v24 =	vadd.f32 v25, v24;
	v23 =	vadd.f32 v26, v23;
	_ =	sdelay $0x1  }
0x136: {  	v25 =	vperm.xlane v24, v6;
	v26 =	vperm.xlane v23, v6;
	_ =	sdelay $0x1  }
0x137: {  	v23 =	vsel vm4, v24, v23;
	v24 =	vsel vm4, v25, v26  }
0x138: {  	v23 =	vadd.f32 v24, v23;
	_ =	sdelay $0x1  }
0x139: {  	v23 =	vmul.f32 $4.882812500e-04, v23;
	_ =	sdelay $0x1  }
0x13a: {  	v23 =	vadd.f32 $9.999999970e-07, v23;
	_ =	sdelay $0x1  }
0x13b: {  	v24 =	vshrl.u32 v23, $0x1  }
0x13c: {  	v24 =	vsub.s32 $0x5F3759DF, v24  }
0x13d: {  	v23 =	vmul.f32 $5.000000000e-01, v23;
	v25 =	vmul.f32 v24, v24;
	_ =	sdelay $0x1  }
0x13e: {  	v25 =	vmul.f32 v25, v23;
	_ =	sdelay $0x1  }
0x13f: {  	v25 =	vsub.f32 $1.500000000e+00, v25;
	_ =	sdelay $0x1  }
0x140: {  	v24 =	vmul.f32 v24, v25;
	_ =	sdelay $0x1  }
0x141: {  	v25 =	vmul.f32 v24, v24;
	_ =	sdelay $0x1  }
0x142: {  	v25 =	vmul.f32 v25, v23;
	_ =	sdelay $0x1  }
0x143: {  	v25 =	vsub.f32 $1.500000000e+00, v25;
	_ =	sdelay $0x1  }
0x144: {  	v24 =	vmul.f32 v25, v24;
	_ =	sdelay $0x1  }
0x145: {  	v25 =	vmul.f32 v24, v24;
	_ =	sdelay $0x1  }
0x146: {  	v25 =	vmul.f32 v25, v23;
	_ =	sdelay $0x1  }
0x147: {  	v25 =	vsub.f32 $1.500000000e+00, v25;
	_ =	sdelay $0x1  }
0x148: {  	v24 =	vmul.f32 v25, v24;
	_ =	sdelay $0x1  }
0x149: {  	v25 =	vmul.f32 v24, v24  }
0x14a: {  	s14 =	simm.s32 $0x0  }
0x14b: {  	s14 =	sand.u32 $0x3C00, s14;
	v23 =	vmul.f32 v25, v23  }
0x14c: {  	s18 =	simm.s32 $0x0;
	s21 =	sadd.s32 s14, s5  }
0x14d: {  	s20 =	sand.u32 $0x60, s18;
	s22 =	sadd.s32 $0x4000, s21;
	v23 =	vsub.f32 $1.500000000e+00, v23  }
0x14e: {  	s23 =	sor.u32 $0x10, s20;
	s14 =	sadd.s32 s20, s21;
	s20 =	sadd.s32 s20, s22  }
0x14f: {  	v53 =	vld [tilespmem:s20+$0x0];
	v52 =	vmul.f32 v23, v24  }
0x150: {  	s25 =	sand.u32 $0x780, s18;
	s17 =	sadd.s32 s23, s22;
	v58 =	vld [tilespmem:s20+$0x180]  }
0x151: {  	s19 =	sor.u32 s23, s25;
	v25 =	vld [tilespmem:s17+$0x380];
	v29 =	vperm.xlane v52, v22;
	v30 =	vperm.xlane v52, v8  }
0x152: {  	v33 =	vld [tilespmem:s19+$0x100];
	v32 =	vperm.xlane v52, v7;
	v31 =	vperm.xlane v52, v9  }
0x153: {  	v24 =	vld [tilespmem:s14+$0x0];
	v28 =	vperm.xlane v52, v10;
	v27 =	vperm.xlane v52, v11  }
0x154: {  	v54 =	vld [tilespmem:s20+$0x80];
	s19 =	simm.s32 $0x100;
	v26 =	vperm.xlane v52, v13;
	v34 =	vperm.xlane v52, v15  }
0x155: {  	v23 =	vld [tilespmem:s19+$0x0];
	v35 =	vperm.xlane v52, v16;
	v36 =	vperm.xlane v52, v17  }
0x156: {  	v55 =	vld [tilespmem:s20+$0x100];
	v37 =	vperm.xlane v52, v18;
	v25 =	vmul.f32 v25, v29  }
0x157: {  	v59 =	vld [tilespmem:s20+$0x200];
	v38 =	vperm.xlane v52, v19;
	v39 =	vperm.xlane v52, v20  }
0x158: {  	v57 =	vmul.f32 v24, v30;
	v56 =	vmul.f32 v25, v33  }
0x159: {  	v62 =	vld [tilespmem:s20+$0x280];
	v40 =	vperm.xlane v52, v21;
	v41 =	vmul.f32 v53, v34  }
0x15a: {  	s21 =	sadd.s32 s23, s21;
	v42 =	vmul.f32 v54, v35;
	v60 =	vmul.f32 v57, v23;
	v57 =	vld [tilespmem:s17+$0x0];
	[tilespmem:s17+$0x380] =	vst v56  }
0x15b: {  	v43 =	vmul.f32 v55, v36;
	v44 =	vmul.f32 v58, v37;
	v61 =	vld [tilespmem:s21+$0x0]  }
0x15c: {  	v45 =	vmul.f32 v59, v38;
	v41 =	vmul.f32 v41, v23;
	v63 =	vld [tilespmem:s21+$0x80]  }
0x15d: {  	v24 =	vperm.xlane v52, v14;
	v42 =	vmul.f32 v42, v23;
	[tilespmem:s14+$0x0] =	vst v60;
	v50 =	vld [tilespmem:s21+$0x100]  }
0x15e: {  	v25 =	vperm.xlane v52, v12;
	v43 =	vmul.f32 v43, v23;
	v52 =	vld [tilespmem:s21+$0x180];
	[tilespmem:s20+$0x0] =	vst v41  }
0x15f: {  	v47 =	vmul.f32 v62, v39;
	v44 =	vmul.f32 v44, v23;
	v49 =	vld [tilespmem:s20+$0x300];
	[tilespmem:s20+$0x80] =	vst v42  }
0x160: {  	v45 =	vmul.f32 v45, v23;
	v56 =	vld [tilespmem:s21+$0x200];
	[tilespmem:s20+$0x100] =	vst v43;
	v46 =	vmul.f32 v61, v30  }
0x161: {  	v47 =	vmul.f32 v47, v23;
	v58 =	vld [tilespmem:s21+$0x280];
	[tilespmem:s20+$0x180] =	vst v44;
	v48 =	vmul.f32 v63, v32  }
0x162: {  	v51 =	vld [tilespmem:s20+$0x380];
	[tilespmem:s20+$0x200] =	vst v45;
	v50 =	vmul.f32 v50, v31;
	v46 =	vmul.f32 v46, v33  }
0x163: {  	v60 =	vld [tilespmem:s21+$0x300];
	[tilespmem:s20+$0x280] =	vst v47;
	v52 =	vmul.f32 v52, v28;
	v48 =	vmul.f32 v48, v33  }
0x164: {  	v62 =	vld [tilespmem:s21+$0x380];
	v49 =	vmul.f32 v49, v40;
	v50 =	vmul.f32 v50, v33;
	[tilespmem:s21+$0x0] =	vst v46  }
0x165: {  	v41 =	vmul.f32 v56, v27;
	v52 =	vmul.f32 v52, v33;
	v59 =	vld [tilespmem:s17+$0x80];
	[tilespmem:s21+$0x80] =	vst v48  }
0x166: {  	v63 =	vmul.f32 v58, v25;
	v49 =	vmul.f32 v49, v23;
	v61 =	vld [tilespmem:s17+$0x100];
	[tilespmem:s21+$0x100] =	vst v50  }
0x167: {  	v41 =	vmul.f32 v41, v33;
	v53 =	vld [tilespmem:s17+$0x180];
	[tilespmem:s21+$0x180] =	vst v52;
	v52 =	vmul.f32 v51, v29  }
0x168: {  	v54 =	vmul.f32 v60, v26;
	v45 =	vmul.f32 v63, v33;
	[tilespmem:s20+$0x300] =	vst v49  }
0x169: {  	v55 =	vmul.f32 v62, v24;
	v47 =	vld [tilespmem:s17+$0x200];
	[tilespmem:s21+$0x200] =	vst v41;
	v46 =	vmul.f32 v52, v23  }
0x16a: {  	v42 =	vmul.f32 v57, v34;
	v41 =	vmul.f32 v54, v33;
	v56 =	vld [tilespmem:s17+$0x280];
	[tilespmem:s21+$0x280] =	vst v45  }
0x16b: {  	v57 =	vmul.f32 v55, v33;
	v43 =	vmul.f32 v59, v35;
	v58 =	vld [tilespmem:s17+$0x300];
	[tilespmem:s20+$0x380] =	vst v46  }
0x16c: {  	[tilespmem:s21+$0x300] =	vst v41;
	v59 =	vmul.f32 v42, v33;
	v60 =	vmul.f32 v61, v36;
	v45 =	vld [tilespmem:s14+$0x80]  }
0x16d: {  	[tilespmem:s21+$0x380] =	vst v57;
	v44 =	vld [tilespmem:s14+$0x100];
	v61 =	vmul.f32 v43, v33;
	v62 =	vmul.f32 v53, v37  }
0x16e: {  	v43 =	vld [tilespmem:s14+$0x180];
	[tilespmem:s17+$0x0] =	vst v59;
	v63 =	vmul.f32 v60, v33;
	v47 =	vmul.f32 v47, v38  }
0x16f: {  	v42 =	vld [tilespmem:s14+$0x200];
	[tilespmem:s17+$0x80] =	vst v61;
	v48 =	vmul.f32 v62, v33;
	v49 =	vmul.f32 v56, v39  }
0x170: {  	s20 =	simm.s32 $0x100;
	v41 =	vld [tilespmem:s14+$0x280];
	[tilespmem:s17+$0x100] =	vst v63;
	v46 =	vmul.f32 v47, v33;
	v47 =	vmul.f32 v58, v40  }
.LBB2_16:
0x171: {  	s18 =	sadd.s32 $0x20, s18;
	s21 =	sand.u32 $0x3C00, s20;
	v45 =	vmul.f32 v45, v32;
	v50 =	vld [tilespmem:s14+$0x300];
	[tilespmem:s17+$0x180] =	vst v48;
	v48 =	vmul.f32 v49, v33;
	s19 =	sadd.s32 $0x20, s19  }
0x172: {  	s22 =	sand.u32 $0x60, s18;
	s21 =	sadd.s32 s21, s5;
	p2 =	slt.u32 s18, $0x7E0;
	v44 =	vmul.f32 v44, v31;
	v49 =	vld [tilespmem:s14+$0x380];
	[tilespmem:s17+$0x200] =	vst v46;
	v33 =	vmul.f32 v47, v33  }
0x173: {  	v46 =	vld [tilespmem:s19+$0x0];
	s23 =	sadd.s32 s22, s21;
	s24 =	sadd.s32 $0x4000, s21;
	s25 =	sor.u32 $0x10, s22;
	v45 =	vmul.f32 v45, v23;
	v43 =	vmul.f32 v43, v28;
	[tilespmem:s17+$0x280] =	vst v48  }
0x174: {  	v47 =	vld [tilespmem:s23+$0x0];
	s22 =	sadd.s32 s22, s24;
	s21 =	sadd.s32 s25, s21;
	v44 =	vmul.f32 v44, v23;
	v42 =	vmul.f32 v42, v27;
	[tilespmem:s17+$0x300] =	vst v33;
	s17 =	sadd.s32 s25, s24  }
0x175: {  	s24 =	sand.u32 $0x780, s18;
	v48 =	vld [tilespmem:s17+$0x380];
	[tilespmem:s14+$0x80] =	vst v45;
	v43 =	vmul.f32 v43, v23;
	v41 =	vmul.f32 v41, v25  }
0x176: {  	s24 =	sor.u32 s25, s24;
	v45 =	vld [tilespmem:s22+$0x0];
	[tilespmem:s14+$0x100] =	vst v44;
	v42 =	vmul.f32 v42, v23;
	v44 =	vmul.f32 v50, v26  }
0x177: {  	v33 =	vld [tilespmem:s24+$0x100];
	[tilespmem:s14+$0x180] =	vst v43;
	v41 =	vmul.f32 v41, v23;
	v43 =	vmul.f32 v49, v24  }
0x178: {  	v49 =	vld [tilespmem:s22+$0x80];
	[tilespmem:s14+$0x200] =	vst v42;
	v42 =	vmul.f32 v44, v23  }
0x179: {  	v44 =	vmul.f32 v47, v30;
	v47 =	vld [tilespmem:s22+$0x100];
	[tilespmem:s14+$0x280] =	vst v41;
	v41 =	vmul.f32 v43, v23;
	v23 =	vmov v46  }
0x17a: {  	v43 =	vld [tilespmem:s22+$0x180];
	v46 =	vmul.f32 v48, v29;
	[tilespmem:s14+$0x300] =	vst v42  }
0x17b: {  	v42 =	vmul.f32 v44, v23;
	v44 =	vmul.f32 v45, v34;
	v45 =	vld [tilespmem:s22+$0x200];
	[tilespmem:s14+$0x380] =	vst v41;
	s14 =	smov.u32 s23  }
0x17c: {  	v41 =	vld [tilespmem:s22+$0x280];
	v46 =	vmul.f32 v46, v33  }
0x17d: {  	[tilespmem:s14+$0x0] =	vst v42;
	v42 =	vmul.f32 v44, v23;
	v44 =	vmul.f32 v49, v35;
	v48 =	vld [tilespmem:s22+$0x300]  }
0x17e: {  	v47 =	vmul.f32 v47, v36;
	v49 =	vld [tilespmem:s22+$0x380];
	[tilespmem:s17+$0x380] =	vst v46  }
0x17f: {  	[tilespmem:s22+$0x0] =	vst v42;
	v42 =	vmul.f32 v44, v23;
	v43 =	vmul.f32 v43, v37;
	v44 =	vld [tilespmem:s21+$0x0]  }
0x180: {  	v46 =	vmul.f32 v47, v23;
	v45 =	vmul.f32 v45, v38;
	v47 =	vld [tilespmem:s21+$0x80]  }
0x181: {  	[tilespmem:s22+$0x80] =	vst v42;
	v42 =	vmul.f32 v43, v23;
	v41 =	vmul.f32 v41, v39;
	v43 =	vld [tilespmem:s21+$0x100]  }
0x182: {  	[tilespmem:s22+$0x100] =	vst v46;
	v45 =	vmul.f32 v45, v23;
	v46 =	vmul.f32 v48, v40;
	v48 =	vld [tilespmem:s21+$0x180]  }
0x183: {  	[tilespmem:s22+$0x180] =	vst v42;
	v41 =	vmul.f32 v41, v23;
	v42 =	vmul.f32 v49, v29;
	v49 =	vld [tilespmem:s21+$0x200]  }
0x184: {  	[tilespmem:s22+$0x200] =	vst v45;
	v45 =	vmul.f32 v46, v23;
	v44 =	vmul.f32 v44, v30;
	v46 =	vld [tilespmem:s21+$0x280]  }
0x185: {  	[tilespmem:s22+$0x280] =	vst v41;
	v41 =	vmul.f32 v42, v23;
	v42 =	vmul.f32 v47, v32;
	v47 =	vld [tilespmem:s21+$0x300]  }
0x186: {  	[tilespmem:s22+$0x300] =	vst v45;
	v44 =	vmul.f32 v44, v33;
	v43 =	vmul.f32 v43, v31;
	v45 =	vld [tilespmem:s21+$0x380]  }
0x187: {  	[tilespmem:s22+$0x380] =	vst v41;
	v41 =	vmul.f32 v42, v33;
	v42 =	vmul.f32 v48, v28;
	v48 =	vld [tilespmem:s17+$0x0]  }
0x188: {  	[tilespmem:s21+$0x0] =	vst v44;
	v43 =	vmul.f32 v43, v33;
	v44 =	vmul.f32 v49, v27;
	v49 =	vld [tilespmem:s17+$0x80]  }
0x189: {  	[tilespmem:s21+$0x80] =	vst v41;
	v41 =	vmul.f32 v42, v33;
	v42 =	vmul.f32 v46, v25;
	v46 =	vld [tilespmem:s17+$0x100]  }
0x18a: {  	[tilespmem:s21+$0x100] =	vst v43;
	v43 =	vmul.f32 v44, v33;
	v44 =	vmul.f32 v47, v26;
	v47 =	vld [tilespmem:s17+$0x180]  }
0x18b: {  	[tilespmem:s21+$0x180] =	vst v41;
	v41 =	vmul.f32 v42, v33;
	v42 =	vmul.f32 v45, v24;
	v50 =	vld [tilespmem:s17+$0x200]  }
0x18c: {  	[tilespmem:s21+$0x200] =	vst v43;
	v43 =	vmul.f32 v44, v33;
	v44 =	vmul.f32 v48, v34;
	v51 =	vld [tilespmem:s17+$0x280]  }
0x18d: {  	[tilespmem:s21+$0x280] =	vst v41;
	v41 =	vmul.f32 v42, v33;
	v42 =	vmul.f32 v49, v35;
	v52 =	vld [tilespmem:s17+$0x300]  }
.Ltmp11:
0x18e: {  	v45 =	vld [tilespmem:s14+$0x80];
	[tilespmem:s21+$0x300] =	vst v43;
	v48 =	vmul.f32 v44, v33;
	v46 =	vmul.f32 v46, v36;
	(pc) =	sbr.rel @p2 .LBB2_16-.Ltmp11, $4  }
0x18f: {  	v44 =	vld [tilespmem:s14+$0x100];
	[tilespmem:s21+$0x380] =	vst v41;
	v41 =	vmul.f32 v42, v33;
	v47 =	vmul.f32 v47, v37  }
0x190: {  	v43 =	vld [tilespmem:s14+$0x180];
	[tilespmem:s17+$0x0] =	vst v48;
	v46 =	vmul.f32 v46, v33;
	v50 =	vmul.f32 v50, v38  }
0x191: {  	v42 =	vld [tilespmem:s14+$0x200];
	[tilespmem:s17+$0x80] =	vst v41;
	v48 =	vmul.f32 v47, v33;
	v49 =	vmul.f32 v51, v39  }
0x192: {  	s20 =	sadd.s32 $0x100, s20;
	v41 =	vld [tilespmem:s14+$0x280];
	[tilespmem:s17+$0x100] =	vst v46;
	v46 =	vmul.f32 v50, v33;
	v47 =	vmul.f32 v52, v40  }
0x193: {  	v29 =	vmul.f32 v45, v32;
	v30 =	vld [tilespmem:s14+$0x300];
	[tilespmem:s17+$0x180] =	vst v48;
	v62 =	vmul.f32 v49, v33  }
0x194: {  	v34 =	vld [tilespmem:s14+$0x380];
	v31 =	vmul.f32 v44, v31;
	[tilespmem:s17+$0x200] =	vst v46;
	v63 =	vmul.f32 v47, v33  }
0x195: {  	v29 =	vmul.f32 v29, v23;
	v28 =	vmul.f32 v43, v28;
	[tilespmem:s17+$0x280] =	vst v62  }
0x196: {  	v31 =	vmul.f32 v31, v23;
	v27 =	vmul.f32 v42, v27;
	[tilespmem:s17+$0x300] =	vst v63  }
0x197: {  	[tilespmem:s14+$0x80] =	vst v29;
	v28 =	vmul.f32 v28, v23;
	v25 =	vmul.f32 v41, v25  }
0x198: {  	[tilespmem:s14+$0x100] =	vst v31;
	v27 =	vmul.f32 v27, v23;
	v26 =	vmul.f32 v30, v26  }
0x199: {  	v24 =	vmul.f32 v34, v24;
	[tilespmem:s14+$0x180] =	vst v28;
	v25 =	vmul.f32 v25, v23  }
0x19a: {  	[tilespmem:s14+$0x200] =	vst v27;
	v26 =	vmul.f32 v26, v23  }
0x19b: {  	p2 =	sne.s32 s15, $0x0;
	v23 =	vmul.f32 v24, v23;
	[tilespmem:s14+$0x280] =	vst v25  }
0x19c: {  	s5 =	sshll.u32 @!p2 s16, $0xC;
	[tilespmem:s14+$0x300] =	vst v26  }
0x19d: {  	s15 =	simm.s32 @!p2 $0x900;
	s5 =	sadd.s32 @!p2 s5, s13;
	[tilespmem:s14+$0x380] =	vst v23;
	s14 =	simm.s32 @!p2 $0x0  }
0x19e: {  	[hbm4b:s5+s14] =	stream.linear.scatter @!p2 [tilespmem:s15], [sflag:$0x4], $0x8000, $0x38;
	[tilespmem:$0x18900] =	vst v63  }
0x19f: {  	s5 =	sshll.u32 @p1 s16, $0xC  }
0x1a0: {  	s14 =	simm.s32 @p1 $0x0;
	s15 =	simm.s32 @p1 $0x8900;
	s5 =	sadd.s32 @p1 s5, s13  }
0x1a1: {  	[hbm4b:s5+s14] =	stream.linear.scatter @p1 [tilespmem:s15], [sflag:$0x5], $0x8000, $0x38;
	[tilespmem:$0x18900] =	vst v63  }
0x1a2: {  	s5 =	sshll.u32 @p0 s16, $0xC;
	s14 =	simm.s32 @p0 $0x0  }
0x1a3: {  	s15 =	simm.s32 @p0 $0x10900;
	s16 =	sadd.s32 $0x1, s16;
	s5 =	sadd.s32 @p0 s5, s13  }
0x1a4: {  	[hbm4b:s5+s14] =	stream.linear.scatter @p0 [tilespmem:s15], [sflag:$0x6], $0x8000, $0x38;
	[tilespmem:$0x18900] =	vst v63  }
0x1a5: {  	p0 =	sne.s32 s16, $0x10  }
.Ltmp12:
0x1a6: {  	_ = 	snop;
	(pc) =	sbr.rel @p0 .LBB2_2-.Ltmp12, $1  }
0x1a7: {  	_ =	sdelay $0x3  }
0x1a8: {  	s5 =	simm.s32 $0x6  }
0x1a9: {  	_ =	swait.ge [sflag:s5], $0x8000  }
0x1aa: {  	[sflag:s5] =	ssyncset.done $0x0  }
0x1ab: {  	s14 =	simm.s32 $0x4;
	[sflag:s5] =	ssyncadd.s32 $0xFFFF8000  }
0x1ac: {  	_ =	swait.ge [sflag:s14], $0x8000  }
0x1ad: {  	s1 =	sadd.s32 $0x1, s1;
	s25 =	rddreg [dreg:$0x6]  }
0x1ae: {  	p0 =	sne.s32 s1, s25  }
.Ltmp13:
0x1af: {  	_ = 	snop;
	(pc) =	sbr.rel @p0 .LBB2_1-.Ltmp13, $3  }
0x1b0: {  	_ =	sdelay $0x1  }
0x1b1: {  	[sflag:s14] =	ssyncset.done $0x0  }
0x1b2: {  	[sflag:s14] =	ssyncadd.s32 $0xFFFF8000  }
0x1b3: {  	_ =	sfence.sel $0x180000  }
0x1b4: {  	[bflag:$0x0] =	sbarrier.arrive $0xFFFF  }
0x1b5: {  	_ =	strace $0x90000047  }
0x1b6: {  	s0 =	stileid.u32;
	[bflag:$0x2] =	sbarrier.arrive $0xFFFF  }
0x1b7: {  	p0 =	sne.s32 s0, $0x0;
	s0 =	rddreg [dreg:$0x4]  }
0x1b8: {  	s0 =	sadd.s32 @!p0 $0x100000, s0  }
0x1b9: {  	[sflag:s0] =	ssyncadd.tile.s32 @!p0 $0x1;
	_ =	shalt  }
.Lfunc_end2:
_tile_overlayer_lowered:
.L_overlay_start_2:
0x1ba: {  	(tag) =	ssettag $0x2  }
0x1bb: {  	s0 =	rddreg [dreg:$0x0];
	s2 =	stileid.u32  }
0x1bc: {  	s1 =	rddreg [dreg:$0x1];
	p0 =	sne.s32 s2, $0x0  }
0x1bd: {  	s3 =	rddreg [dreg:$0x2];
	[bflag:$0x3] =	sbarrier.arrive $0xFFFF;
	s2 =	simm.s32 @!p0 $0x1C07  }
0x1be: {  	[timem:s3], [sflag:s2] =	dma.local @!p0 [hbm:s0], s1  }
0x1bf: {  	s0 =	simm.s32 @!p0 $0x7  }
0x1c0: {  	_ =	swait.ge @!p0 [sflag:s0], s1  }
0x1c1: {  	s1 =	ssub.s32 @!p0 $0x0, s1;
	[sflag:s0] =	ssyncset.done @!p0 $0x0  }
0x1c2: {  	[sflag:s0] =	ssyncadd.s32 @!p0 s1  }
0x1c3: {  	[bflag:$0x3] =	sbarrier.arrive $0xFFFF  }
0x1c4: {  	_ =	shalt  }

</sc_bundles>
